<compile_context>
chip_gen: v7x
topology: tpu7x:2x2x1
jax: 0.10.2.dev20260603
libtpu: 0.0.44.dev20260713+nightly
codegen_flags: <defaults>
</compile_context>

<pallas_src>
import functools

import jax
import jax.numpy as jnp
from jax import lax
from jax.experimental import pallas as pl
from jax.experimental.pallas import tpu as pltpu
from jax.experimental.pallas import tpu_sc as plsc

N = 10000
E = 320000
D = 128
H = 8
ALPHA = 0.2
L = 16
Q = E // 4
CHUNK = 2000
NCH = Q // CHUNK
NV = CHUNK // L
UNROLL = 5
CSLICE = 2000


def _proj_body(w_ref, x_ref, o_ref):
    o_ref[...] = lax.dot_general(
        w_ref[...], x_ref[...], (((0,), (1,)), ((), ())),
        preferred_element_type=jnp.float32)


def _project(w, x):
    return pl.pallas_call(
        _proj_body,
        out_shape=jax.ShapeDtypeStruct((2 * H, N), jnp.float32),
    )(w, x)


_mesh = plsc.VectorSubcoreMesh(core_axis_name="c", subcore_axis_name="s")


@functools.partial(
    pl.kernel,
    out_type=jax.ShapeDtypeStruct((H * E,), jnp.float32),
    mesh=_mesh,
    compiler_params=pltpu.CompilerParams(needs_layout_passes=False),
    scratch_types=[
        pltpu.VMEM((N,), jnp.float32),
        pltpu.VMEM((N,), jnp.float32),
        pltpu.VMEM((N,), jnp.float32),
        pltpu.VMEM((CHUNK + 32,), jnp.int32),
        pltpu.VMEM((CHUNK + 32,), jnp.int32),
        pltpu.VMEM((CHUNK,), jnp.int32),
        pltpu.VMEM((CHUNK,), jnp.int32),
        pltpu.VMEM((CHUNK,), jnp.float32),
        pltpu.VMEM((CHUNK,), jnp.float32),
        pltpu.VMEM((CHUNK,), jnp.float32),
        pltpu.VMEM((CHUNK,), jnp.float32),
        pltpu.VMEM((CSLICE,), jnp.float32),
        pltpu.VMEM_SHARED((16 * N,), jnp.float32),
        pltpu.SemaphoreType.DMA,
        pltpu.SemaphoreType.DMA,
        pltpu.SemaphoreType.DMA,
        pltpu.SemaphoreType.DMA,
        pltpu.SemaphoreType.DMA,
        pltpu.SemaphoreType.DMA,
    ],
)
def _sc_attn(sT_hbm, row_hbm, col_hbm, out_hbm,
             s1h, s2h, acc, rbuf0, rbuf1, cbuf0, cbuf1, ebuf0, ebuf1,
             fbuf0, fbuf1, tbuf, P,
             rsem0, rsem1, csem0, csem1, osem0, osem1):
    c = lax.axis_index("c")
    s = lax.axis_index("s")
    h = c * 4 + s // 4
    q = s % 4
    ebase = q * Q

    rbuf = (rbuf0, rbuf1)
    cbuf = (cbuf0, cbuf1)
    ebuf = (ebuf0, ebuf1)
    fbuf = (fbuf0, fbuf1)
    rsem = (rsem0, rsem1)
    csem = (csem0, csem1)
    osem = (osem0, osem1)

    def rsrc(ci):
        return row_hbm.at[
            pl.ds(pl.multiple_of(ebase + ci * CHUNK, 8), CHUNK + 32)]

    def csrc(ci):
        return col_hbm.at[pl.ds(pl.multiple_of(ebase + ci * CHUNK, 8), CHUNK)]

    def ochunk(ci):
        return out_hbm.at[
            pl.ds(pl.multiple_of(h * E + ebase + ci * CHUNK, 8), CHUNK)]

    pltpu.sync_copy(sT_hbm.at[pl.ds(pl.multiple_of(h * N, 8), N)], s1h)
    pltpu.sync_copy(sT_hbm.at[pl.ds(pl.multiple_of((h + H) * N, 8), N)], s2h)

    zeros = jnp.zeros((L,), jnp.float32)
    lanes = lax.broadcasted_iota(jnp.int32, (L,), 0)
    lane0 = lanes == 0
    lane_last = lanes == L - 1

    def zbody(i, carry):
        acc[pl.ds(i * L, L)] = zeros
        return carry

    lax.fori_loop(0, N // L, zbody, 0)

    for b in range(2):
        pltpu.async_copy(rsrc(b), rbuf[b], rsem[b])
        pltpu.async_copy(csrc(b), cbuf[b], csem[b])

    def chunk1(ci2, carry):
        for b in range(2):
            ci = ci2 * 2 + b
            rb, cb, eb = rbuf[b], cbuf[b], ebuf[b]
            pltpu.make_async_copy(rsrc(ci), rb, rsem[b]).wait()
            pltpu.make_async_copy(csrc(ci), cb, csem[b]).wait()

            @pl.when(ci2 > 0)
            def _():
                pltpu.make_async_copy(eb, ochunk(ci - 2), osem[b]).wait()

            def vbody(j, inner):
                for u in range(UNROLL):
                    off = (j * UNROLL + u) * L
                    ridx = rb[pl.ds(off + 16, L)]
                    rprev = rb[pl.ds(off + 15, L)]
                    rnext = rb[pl.ds(off + 17, L)]
                    cidx = cb[pl.ds(off, L)]
                    v = (plsc.load_gather(s1h, [ridx])
                         + plsc.load_gather(s2h, [cidx]))
                    v = jnp.maximum(v, ALPHA * v)
                    ev = jnp.exp(v)
                    eb[pl.ds(off, L)] = ev
                    cs = plsc.cumsum(ev)
                    m_start = (ridx != rprev) | lane0
                    m_end = (ridx != rnext) | lane_last
                    plsc.addupdate_scatter(acc, [ridx], ev - cs, mask=m_start)
                    plsc.addupdate_scatter(acc, [ridx], cs, mask=m_end)
                return inner

            lax.fori_loop(0, NV // UNROLL, vbody, 0)
            pltpu.async_copy(eb, ochunk(ci), osem[b])

            @pl.when(ci + 2 < NCH)
            def _():
                pltpu.async_copy(rsrc(ci + 2), rb, rsem[b])
                pltpu.async_copy(csrc(ci + 2), cb, csem[b])

        return carry

    lax.fori_loop(0, NCH // 2, chunk1, 0)
    for b in range(2):
        pltpu.make_async_copy(ebuf[b], ochunk(NCH - 2 + b), osem[b]).wait()

    pltpu.sync_copy(acc, P.at[pl.ds(pl.multiple_of(s * N, 8), N)])
    plsc.subcore_barrier()

    hs = (s // 4) * 4

    def sib_loop(k, carry):
        sib = hs + lax.rem(q + 1 + k, 4)

        def cchunk(m, inner):
            nb = m * CSLICE
            pltpu.sync_copy(
                P.at[pl.ds(pl.multiple_of(sib * N + nb, 8), CSLICE)], tbuf)

            def addv(t, inner2):
                sl = pl.ds(nb + t * L, L)
                acc[sl] = acc[sl] + tbuf[pl.ds(t * L, L)]
                return inner2

            lax.fori_loop(0, CSLICE // L, addv, 0)
            return inner

        lax.fori_loop(0, N // CSLICE, cchunk, 0)
        return carry

    lax.fori_loop(0, 3, sib_loop, 0)

    def rbody(i, carry):
        sl = pl.ds(i * L, L)
        acc[sl] = 1.0 / (acc[sl] + 1e-12)
        return carry

    lax.fori_loop(0, N // L, rbody, 0)

    for b in range(2):
        pltpu.async_copy(rsrc(b), rbuf[b], rsem[b])
        pltpu.async_copy(ochunk(b), fbuf[b], csem[b])

    def chunk2(ci2, carry):
        for b in range(2):
            ci = ci2 * 2 + b
            rb, fb, eb = rbuf[b], fbuf[b], ebuf[b]
            pltpu.make_async_copy(rsrc(ci), rb, rsem[b]).wait()
            pltpu.make_async_copy(ochunk(ci), fb, csem[b]).wait()

            @pl.when(ci2 > 0)
            def _():
                pltpu.make_async_copy(eb, ochunk(ci - 2), osem[b]).wait()

            def vbody2(j, inner):
                for u in range(UNROLL):
                    off = (j * UNROLL + u) * L
                    ridx = rb[pl.ds(off + 16, L)]
                    rs = plsc.load_gather(acc, [ridx])
                    eb[pl.ds(off, L)] = fb[pl.ds(off, L)] * rs
                return inner

            lax.fori_loop(0, NV // UNROLL, vbody2, 0)
            pltpu.async_copy(eb, ochunk(ci), osem[b])

            @pl.when(ci + 2 < NCH)
            def _():
                pltpu.async_copy(rsrc(ci + 2), rb, rsem[b])
                pltpu.async_copy(ochunk(ci + 2), fb, csem[b])

        return carry

    lax.fori_loop(0, NCH // 2, chunk2, 0)
    for b in range(2):
        pltpu.make_async_copy(ebuf[b], ochunk(NCH - 2 + b), osem[b]).wait()


@jax.jit
def kernel(x, row, col, aa):
    w = jnp.concatenate([aa[:, :D].T, aa[:, D:].T], axis=1)
    sT = _project(w, x).reshape(-1)
    row_pad = jnp.pad(row, (16, 16), constant_values=-1)
    return _sc_attn(sT, row_pad, col).reshape(H, E)

# --- scband reference (transcript-rebuilt; emitter-appended) ---
"""Pipeline reference for scband-attention-model-59313498358412 (READ-ONLY COPY).

The authoritative reference and input builder live on the scoring server;
editing this copy changes nothing except your own understanding.
"""

import jax, jax.numpy as jnp
import numpy as np

N_NODES = 10000
N_EDGES = 320000
D_FEAT = 128
N_HEADS = 8
ALPHA = 0.2


def setup_inputs(seed: int = 0) -> dict:
    key = jax.random.key(seed)
    k1, k2, k3, k4 = jax.random.split(key, 4)
    x = jax.random.normal(k1, (N_NODES, D_FEAT), dtype=jnp.float32)
    row = jnp.sort(jax.random.randint(k2, (N_EDGES,), 0, N_NODES, dtype=jnp.int32))
    col = jax.random.randint(k3, (N_EDGES,), 0, N_NODES, dtype=jnp.int32)
    # aa: xavier_uniform with gain=1.414 over shape (H, 2*D)
    fan_in = 2 * D_FEAT
    fan_out = N_HEADS
    bound = 1.414 * np.sqrt(6.0 / (fan_in + fan_out))
    aa = jax.random.uniform(k4, (N_HEADS, 2 * D_FEAT), dtype=jnp.float32, minval=-bound, maxval=bound)
    return {"x": x, "row": row, "col": col, "aa": aa}


def reference(x, row, col, aa):
    # xx = cat([x[row], x[col]], dim=1) -> [E, 2D]
    xx = jnp.concatenate([jnp.take(x, row, axis=0), jnp.take(x, col, axis=0)], axis=1)
    # e = leakyrelu(aa @ xx.T) -> [H, E]
    e = jnp.matmul(aa, xx.T)
    e = jnp.where(e > 0, e, ALPHA * e)
    # scatter_softmax over edges grouped by row index, per head
    et = e.T  # [E, H]
    seg_max = jax.ops.segment_max(et, row, num_segments=N_NODES)  # [N, H]
    seg_max = jnp.where(jnp.isfinite(seg_max), seg_max, 0.0)
    ex = jnp.exp(et - jnp.take(seg_max, row, axis=0))
    seg_sum = jax.ops.segment_sum(ex, row, num_segments=N_NODES)  # [N, H]
    a = ex / (jnp.take(seg_sum, row, axis=0) + 1e-12)
    return a.T  # [H, E]

if __name__ == "__main__":
    import jax
    _d = setup_inputs()
    print(jax.jit(kernel)(*tuple(_d.values())))

</pallas_src>

<mosaic_0001>
#map = affine_map<(d0, d1) -> (0)>
module attributes {stable_mosaic.version = 14 : i64} {
  func.func @_sc_attn(%arg0: i32, %arg1: i32, %arg2: memref<160000xf32, #tpu.memory_space<hbm>>, %arg3: memref<320032xi32, #tpu.memory_space<hbm>>, %arg4: memref<320000xi32, #tpu.memory_space<hbm>>, %arg5: memref<2560000xf32, #tpu.memory_space<hbm>>, %arg6: memref<10000xf32, #tpu.memory_space<vmem>>, %arg7: memref<10000xf32, #tpu.memory_space<vmem>>, %arg8: memref<10000xf32, #tpu.memory_space<vmem>>, %arg9: memref<2032xi32, #tpu.memory_space<vmem>>, %arg10: memref<2032xi32, #tpu.memory_space<vmem>>, %arg11: memref<2000xi32, #tpu.memory_space<vmem>>, %arg12: memref<2000xi32, #tpu.memory_space<vmem>>, %arg13: memref<2000xf32, #tpu.memory_space<vmem>>, %arg14: memref<2000xf32, #tpu.memory_space<vmem>>, %arg15: memref<2000xf32, #tpu.memory_space<vmem>>, %arg16: memref<2000xf32, #tpu.memory_space<vmem>>, %arg17: memref<2000xf32, #tpu.memory_space<vmem>>, %arg18: memref<160000xf32, #tpu.memory_space<vmem_shared>>, %arg19: memref<!tpu.dma_semaphore, #tpu.memory_space<semaphore_mem>>, %arg20: memref<!tpu.dma_semaphore, #tpu.memory_space<semaphore_mem>>, %arg21: memref<!tpu.dma_semaphore, #tpu.memory_space<semaphore_mem>>, %arg22: memref<!tpu.dma_semaphore, #tpu.memory_space<semaphore_mem>>, %arg23: memref<!tpu.dma_semaphore, #tpu.memory_space<semaphore_mem>>, %arg24: memref<!tpu.dma_semaphore, #tpu.memory_space<semaphore_mem>>) attributes {dimension_semantics = [#tpu.dimension_semantics<core_parallel>, #tpu.dimension_semantics<subcore_parallel>], iteration_bounds = array<i64: 2, 16>, scalar_prefetch = 0 : i64, scratch_operands = 19 : i64, tpu.core_type = #tpu.core_type<sc_vector_subcore>, window_params = [{transform_indices = #map}, {transform_indices = #map}, {transform_indices = #map}, {transform_indices = #map}]} {
    %mul3A = arith.constant 4 : i32
    %mul3A_0 = arith.muli %arg0, %mul3A : i32
    %jit3A = arith.constant 4 : i32
    %div3A = arith.divsi %arg1, %jit3A : i32
    %sign3A = arith.constant 0 : i32
    %sign3A_1 = arith.cmpi sgt, %arg1, %sign3A : i32
    %sign3A_2 = arith.extui %sign3A_1 : i1 to i32
    %sign3A_3 = arith.constant 0 : i32
    %sign3A_4 = arith.cmpi slt, %arg1, %sign3A_3 : i32
    %sign3A_5 = arith.extui %sign3A_4 : i1 to i32
    %sign3A_6 = arith.subi %sign3A_2, %sign3A_5 : i32
    %sign3A_7 = arith.constant 0 : i32
    %sign3A_8 = arith.cmpi sgt, %jit3A, %sign3A_7 : i32
    %sign3A_9 = arith.extui %sign3A_8 : i1 to i32
    %sign3A_10 = arith.constant 0 : i32
    %sign3A_11 = arith.cmpi slt, %jit3A, %sign3A_10 : i32
    %sign3A_12 = arith.extui %sign3A_11 : i1 to i32
    %sign3A_13 = arith.subi %sign3A_9, %sign3A_12 : i32
    %ne3A = arith.cmpi ne, %sign3A_6, %sign3A_13 : i32
    %rem3A = arith.remsi %arg1, %jit3A : i32
    %ne3A_14 = arith.constant 0 : i32
    %ne3A_15 = arith.cmpi ne, %rem3A, %ne3A_14 : i32
    %and3A = arith.andi %ne3A, %ne3A_15 : i1
    %sub3A = arith.constant 1 : i32
    %sub3A_16 = arith.subi %div3A, %sub3A : i32
    %select_n3A = arith.select %and3A, %sub3A_16, %div3A : i32
    %add3A = arith.addi %mul3A_0, %select_n3A : i32
    %jit3A_17 = arith.constant 4 : i32
    %eq3A = arith.constant 0 : i32
    %eq3A_18 = arith.cmpi eq, %jit3A_17, %eq3A : i32
    %jit3A_19 = arith.constant 1 : i32
    %select_n3A_20 = arith.select %eq3A_18, %jit3A_19, %jit3A_17 : i32
    %rem3A_21 = arith.remsi %arg1, %select_n3A_20 : i32
    %ne3A_22 = arith.constant 0 : i32
    %ne3A_23 = arith.cmpi ne, %rem3A_21, %ne3A_22 : i32
    %lt3A = arith.constant 0 : i32
    %lt3A_24 = arith.cmpi slt, %rem3A_21, %lt3A : i32
    %lt3A_25 = arith.constant 0 : i32
    %lt3A_26 = arith.cmpi slt, %select_n3A_20, %lt3A_25 : i32
    %ne3A_27 = arith.xori %lt3A_24, %lt3A_26 : i1
    %and3A_28 = arith.andi %ne3A_27, %ne3A_23 : i1
    %add3A_29 = arith.addi %rem3A_21, %select_n3A_20 : i32
    %select_n3A_30 = arith.select %and3A_28, %add3A_29, %rem3A_21 : i32
    %mul3A_31 = arith.constant 80000 : i32
    %mul3A_32 = arith.muli %select_n3A_30, %mul3A_31 : i32
    %mul3A_33 = arith.constant 10000 : i32
    %mul3A_34 = arith.muli %add3A, %mul3A_33 : i32
    %multiple_of3A = tpu.assume_multiple %mul3A_34, 8 : i32
    "tpu.region"() ({
      %run_scoped3A = tpu.sem_alloc : memref<!tpu.dma_semaphore, #tpu.memory_space<semaphore_mem>>
      %dma_start3A_181 = tpu.memref_slice %arg2[%multiple_of3A] : memref<160000xf32, #tpu.memory_space<hbm>> -> memref<10000xf32, #tpu.memory_space<hbm>>
      %dma_start3A_182 = tpu.memref_slice %arg2[%multiple_of3A] : memref<160000xf32, #tpu.memory_space<hbm>> -> memref<10000xf32, #tpu.memory_space<hbm>>
      tpu.enqueue_dma source(%dma_start3A_182 : memref<10000xf32, #tpu.memory_space<hbm>>) target(%arg6 : memref<10000xf32, #tpu.memory_space<vmem>>) target_semaphore(%run_scoped3A : memref<!tpu.dma_semaphore, #tpu.memory_space<semaphore_mem>>)
      %dma_wait3A_183 = tpu.memref_slice %arg2[%multiple_of3A] : memref<160000xf32, #tpu.memory_space<hbm>> -> memref<10000xf32, #tpu.memory_space<hbm>>
      %dma_wait3A_184 = tpu.memref_slice %arg2[%multiple_of3A] : memref<160000xf32, #tpu.memory_space<hbm>> -> memref<10000xf32, #tpu.memory_space<hbm>>
      tpu.wait_dma2 semaphore(%run_scoped3A : memref<!tpu.dma_semaphore, #tpu.memory_space<semaphore_mem>>) src(%dma_wait3A_184 : memref<10000xf32, #tpu.memory_space<hbm>>) dst(%arg6 : memref<10000xf32, #tpu.memory_space<vmem>>)
      tpu.yield
    }) : () -> ()
    %add3A_35 = arith.constant 8 : i32
    %add3A_36 = arith.addi %add3A, %add3A_35 : i32
    %mul3A_37 = arith.constant 10000 : i32
    %mul3A_38 = arith.muli %add3A_36, %mul3A_37 : i32
    %multiple_of3A_39 = tpu.assume_multiple %mul3A_38, 8 : i32
    "tpu.region"() ({
      %run_scoped3A = tpu.sem_alloc : memref<!tpu.dma_semaphore, #tpu.memory_space<semaphore_mem>>
      %dma_start3A_181 = tpu.memref_slice %arg2[%multiple_of3A_39] : memref<160000xf32, #tpu.memory_space<hbm>> -> memref<10000xf32, #tpu.memory_space<hbm>>
      %dma_start3A_182 = tpu.memref_slice %arg2[%multiple_of3A_39] : memref<160000xf32, #tpu.memory_space<hbm>> -> memref<10000xf32, #tpu.memory_space<hbm>>
      tpu.enqueue_dma source(%dma_start3A_182 : memref<10000xf32, #tpu.memory_space<hbm>>) target(%arg7 : memref<10000xf32, #tpu.memory_space<vmem>>) target_semaphore(%run_scoped3A : memref<!tpu.dma_semaphore, #tpu.memory_space<semaphore_mem>>)
      %dma_wait3A_183 = tpu.memref_slice %arg2[%multiple_of3A_39] : memref<160000xf32, #tpu.memory_space<hbm>> -> memref<10000xf32, #tpu.memory_space<hbm>>
      %dma_wait3A_184 = tpu.memref_slice %arg2[%multiple_of3A_39] : memref<160000xf32, #tpu.memory_space<hbm>> -> memref<10000xf32, #tpu.memory_space<hbm>>
      tpu.wait_dma2 semaphore(%run_scoped3A : memref<!tpu.dma_semaphore, #tpu.memory_space<semaphore_mem>>) src(%dma_wait3A_184 : memref<10000xf32, #tpu.memory_space<hbm>>) dst(%arg7 : memref<10000xf32, #tpu.memory_space<vmem>>)
      tpu.yield
    }) : () -> ()
    %broadcast_in_dim3A = arith.constant 0.000000e+00 : f32
    %broadcast_in_dim3A_40 = vector.broadcast %broadcast_in_dim3A : f32 to vector<16xf32>
    %iota3A = tpu.iota {dimensions = array<i32: 0>} : vector<16xi32>
    %eq3A_41 = arith.constant 0 : i32
    %eq3A_42 = vector.broadcast %eq3A_41 : i32 to vector<16xi32>
    %eq3A_43 = arith.cmpi eq, %iota3A, %eq3A_42 : vector<16xi32>
    %eq3A_44 = arith.constant 15 : i32
    %eq3A_45 = vector.broadcast %eq3A_44 : i32 to vector<16xi32>
    %eq3A_46 = arith.cmpi eq, %iota3A, %eq3A_45 : vector<16xi32>
    %scan3A = arith.constant 0 : i32
    %scan3A_47 = arith.constant 0 : i32
    %scan3A_48 = arith.constant 625 : i32
    %scan3A_49 = arith.addi %scan3A_47, %scan3A_48 : i32
    %scan3A_50 = arith.constant 1 : i32
    scf.for %scan3A_181 = %scan3A_47 to %scan3A_49 step %scan3A_50  : i32 {
      %mul3A_182 = arith.constant 16 : i32
      %mul3A_183 = arith.muli %scan3A_181, %mul3A_182 : i32
      %swap3A = arith.index_cast %mul3A_183 : i32 to index
      %swap3A_184 = tpu.vector_load %arg8[%swap3A] {strides = array<i32>} : memref<10000xf32, #tpu.memory_space<vmem>>, vector<16xf32>,
      tpu.vector_store %arg8[%swap3A], %broadcast_in_dim3A_40 {strides = array<i32>} : memref<10000xf32, #tpu.memory_space<vmem>>, vector<16xf32>,
    }
    %scan3A_51 = arith.constant 625 : i32
    %add3A_52 = arith.constant 0 : i32
    %add3A_53 = arith.addi %mul3A_32, %add3A_52 : i32
    %multiple_of3A_54 = tpu.assume_multiple %add3A_53, 8 : i32
    %dma_start3A = tpu.memref_slice %arg3[%multiple_of3A_54] : memref<320032xi32, #tpu.memory_space<hbm>> -> memref<2032xi32, #tpu.memory_space<hbm>>
    %dma_start3A_55 = tpu.memref_slice %arg3[%multiple_of3A_54] : memref<320032xi32, #tpu.memory_space<hbm>> -> memref<2032xi32, #tpu.memory_space<hbm>>
    tpu.enqueue_dma source(%dma_start3A_55 : memref<2032xi32, #tpu.memory_space<hbm>>) target(%arg9 : memref<2032xi32, #tpu.memory_space<vmem>>) target_semaphore(%arg19 : memref<!tpu.dma_semaphore, #tpu.memory_space<semaphore_mem>>)
    %add3A_56 = arith.constant 0 : i32
    %add3A_57 = arith.addi %mul3A_32, %add3A_56 : i32
    %multiple_of3A_58 = tpu.assume_multiple %add3A_57, 8 : i32
    %dma_start3A_59 = tpu.memref_slice %arg4[%multiple_of3A_58] : memref<320000xi32, #tpu.memory_space<hbm>> -> memref<2000xi32, #tpu.memory_space<hbm>>
    %dma_start3A_60 = tpu.memref_slice %arg4[%multiple_of3A_58] : memref<320000xi32, #tpu.memory_space<hbm>> -> memref<2000xi32, #tpu.memory_space<hbm>>
    tpu.enqueue_dma source(%dma_start3A_60 : memref<2000xi32, #tpu.memory_space<hbm>>) target(%arg11 : memref<2000xi32, #tpu.memory_space<vmem>>) target_semaphore(%arg21 : memref<!tpu.dma_semaphore, #tpu.memory_space<semaphore_mem>>)
    %add3A_61 = arith.constant 2000 : i32
    %add3A_62 = arith.addi %mul3A_32, %add3A_61 : i32
    %multiple_of3A_63 = tpu.assume_multiple %add3A_62, 8 : i32
    %dma_start3A_64 = tpu.memref_slice %arg3[%multiple_of3A_63] : memref<320032xi32, #tpu.memory_space<hbm>> -> memref<2032xi32, #tpu.memory_space<hbm>>
    %dma_start3A_65 = tpu.memref_slice %arg3[%multiple_of3A_63] : memref<320032xi32, #tpu.memory_space<hbm>> -> memref<2032xi32, #tpu.memory_space<hbm>>
    tpu.enqueue_dma source(%dma_start3A_65 : memref<2032xi32, #tpu.memory_space<hbm>>) target(%arg10 : memref<2032xi32, #tpu.memory_space<vmem>>) target_semaphore(%arg20 : memref<!tpu.dma_semaphore, #tpu.memory_space<semaphore_mem>>)
    %add3A_66 = arith.constant 2000 : i32
    %add3A_67 = arith.addi %mul3A_32, %add3A_66 : i32
    %multiple_of3A_68 = tpu.assume_multiple %add3A_67, 8 : i32
    %dma_start3A_69 = tpu.memref_slice %arg4[%multiple_of3A_68] : memref<320000xi32, #tpu.memory_space<hbm>> -> memref<2000xi32, #tpu.memory_space<hbm>>
    %dma_start3A_70 = tpu.memref_slice %arg4[%multiple_of3A_68] : memref<320000xi32, #tpu.memory_space<hbm>> -> memref<2000xi32, #tpu.memory_space<hbm>>
    tpu.enqueue_dma source(%dma_start3A_70 : memref<2000xi32, #tpu.memory_space<hbm>>) target(%arg12 : memref<2000xi32, #tpu.memory_space<vmem>>) target_semaphore(%arg22 : memref<!tpu.dma_semaphore, #tpu.memory_space<semaphore_mem>>)
    %scan3A_71 = arith.constant 0 : i32
    %scan3A_72 = arith.constant 0 : i32
    %scan3A_73 = arith.constant 20 : i32
    %scan3A_74 = arith.addi %scan3A_72, %scan3A_73 : i32
    %scan3A_75 = arith.constant 1 : i32
    scf.for %scan3A_181 = %scan3A_72 to %scan3A_74 step %scan3A_75  : i32 {
      %mul3A_182 = arith.constant 2 : i32
      %mul3A_183 = arith.muli %scan3A_181, %mul3A_182 : i32
      %add3A_184 = arith.constant 0 : i32
      %add3A_185 = arith.addi %mul3A_183, %add3A_184 : i32
      %mul3A_186 = arith.constant 2000 : i32
      %mul3A_187 = arith.muli %add3A_185, %mul3A_186 : i32
      %add3A_188 = arith.addi %mul3A_32, %mul3A_187 : i32
      %multiple_of3A_189 = tpu.assume_multiple %add3A_188, 8 : i32
      %dma_wait3A_190 = tpu.memref_slice %arg3[%multiple_of3A_189] : memref<320032xi32, #tpu.memory_space<hbm>> -> memref<2032xi32, #tpu.memory_space<hbm>>
      %dma_wait3A_191 = tpu.memref_slice %arg3[%multiple_of3A_189] : memref<320032xi32, #tpu.memory_space<hbm>> -> memref<2032xi32, #tpu.memory_space<hbm>>
      tpu.wait_dma2 semaphore(%arg19 : memref<!tpu.dma_semaphore, #tpu.memory_space<semaphore_mem>>) src(%dma_wait3A_191 : memref<2032xi32, #tpu.memory_space<hbm>>) dst(%arg9 : memref<2032xi32, #tpu.memory_space<vmem>>)
      %mul3A_192 = arith.constant 2000 : i32
      %mul3A_193 = arith.muli %add3A_185, %mul3A_192 : i32
      %add3A_194 = arith.addi %mul3A_32, %mul3A_193 : i32
      %multiple_of3A_195 = tpu.assume_multiple %add3A_194, 8 : i32
      %dma_wait3A_196 = tpu.memref_slice %arg4[%multiple_of3A_195] : memref<320000xi32, #tpu.memory_space<hbm>> -> memref<2000xi32, #tpu.memory_space<hbm>>
      %dma_wait3A_197 = tpu.memref_slice %arg4[%multiple_of3A_195] : memref<320000xi32, #tpu.memory_space<hbm>> -> memref<2000xi32, #tpu.memory_space<hbm>>
      tpu.wait_dma2 semaphore(%arg21 : memref<!tpu.dma_semaphore, #tpu.memory_space<semaphore_mem>>) src(%dma_wait3A_197 : memref<2000xi32, #tpu.memory_space<hbm>>) dst(%arg11 : memref<2000xi32, #tpu.memory_space<vmem>>)
      %gt3A = arith.constant 0 : i32
      %gt3A_198 = arith.cmpi sgt, %scan3A_181, %gt3A : i32
      %convert_element_type3A = arith.extui %gt3A_198 : i1 to i32
      %cond3A = arith.constant 0 : i32
      %cond3A_199 = arith.cmpi ne, %convert_element_type3A, %cond3A : i32
      scf.if %cond3A_199 {
        %sub3A_265 = arith.constant 2 : i32
        %sub3A_266 = arith.subi %add3A_185, %sub3A_265 : i32
        %mul3A_267 = arith.constant 320000 : i32
        %mul3A_268 = arith.muli %add3A, %mul3A_267 : i32
        %add3A_269 = arith.addi %mul3A_268, %mul3A_32 : i32
        %mul3A_270 = arith.constant 2000 : i32
        %mul3A_271 = arith.muli %sub3A_266, %mul3A_270 : i32
        %add3A_272 = arith.addi %add3A_269, %mul3A_271 : i32
        %multiple_of3A_273 = tpu.assume_multiple %add3A_272, 8 : i32
        %dma_wait3A_274 = tpu.memref_slice %arg5[%multiple_of3A_273] : memref<2560000xf32, #tpu.memory_space<hbm>> -> memref<2000xf32, #tpu.memory_space<hbm>>
        %dma_wait3A_275 = tpu.memref_slice %arg5[%multiple_of3A_273] : memref<2560000xf32, #tpu.memory_space<hbm>> -> memref<2000xf32, #tpu.memory_space<hbm>>
        tpu.wait_dma2 semaphore(%arg23 : memref<!tpu.dma_semaphore, #tpu.memory_space<semaphore_mem>>) src(%arg13 : memref<2000xf32, #tpu.memory_space<vmem>>) dst(%dma_wait3A_275 : memref<2000xf32, #tpu.memory_space<hbm>>)
      } else {
      }
      %scan3A_200 = arith.constant 0 : i32
      %scan3A_201 = arith.constant 0 : i32
      %scan3A_202 = arith.constant 25 : i32
      %scan3A_203 = arith.addi %scan3A_201, %scan3A_202 : i32
      %scan3A_204 = arith.constant 1 : i32
      scf.for %scan3A_265 = %scan3A_201 to %scan3A_203 step %scan3A_204  : i32 {
        %mul3A_266 = arith.constant 5 : i32
        %mul3A_267 = arith.muli %scan3A_265, %mul3A_266 : i32
        %add3A_268 = arith.constant 0 : i32
        %add3A_269 = arith.addi %mul3A_267, %add3A_268 : i32
        %mul3A_270 = arith.constant 16 : i32
        %mul3A_271 = arith.muli %add3A_269, %mul3A_270 : i32
        %add3A_272 = arith.constant 16 : i32
        %add3A_273 = arith.addi %mul3A_271, %add3A_272 : i32
        %get3A = arith.index_cast %add3A_273 : i32 to index
        %get3A_274 = tpu.vector_load %arg9[%get3A] {strides = array<i32>} : memref<2032xi32, #tpu.memory_space<vmem>>, vector<16xi32>,
        %add3A_275 = arith.constant 15 : i32
        %add3A_276 = arith.addi %mul3A_271, %add3A_275 : i32
        %get3A_277 = arith.index_cast %add3A_276 : i32 to index
        %get3A_278 = tpu.vector_load %arg9[%get3A_277] {strides = array<i32>} : memref<2032xi32, #tpu.memory_space<vmem>>, vector<16xi32>,
        %add3A_279 = arith.constant 17 : i32
        %add3A_280 = arith.addi %mul3A_271, %add3A_279 : i32
        %get3A_281 = arith.index_cast %add3A_280 : i32 to index
        %get3A_282 = tpu.vector_load %arg9[%get3A_281] {strides = array<i32>} : memref<2032xi32, #tpu.memory_space<vmem>>, vector<16xi32>,
        %get3A_283 = arith.index_cast %mul3A_271 : i32 to index
        %get3A_284 = tpu.vector_load %arg11[%get3A_283] {strides = array<i32>} : memref<2000xi32, #tpu.memory_space<vmem>>, vector<16xi32>,
        %gather3A = tpu.vector_load_idx %arg6[%get3A_274] : memref<10000xf32, #tpu.memory_space<vmem>>[vector<16xi32>], vector<16xf32>,
        %gather3A_285 = tpu.vector_load_idx %arg7[%get3A_284] : memref<10000xf32, #tpu.memory_space<vmem>>[vector<16xi32>], vector<16xf32>,
        %add3A_286 = arith.addf %gather3A, %gather3A_285 : vector<16xf32>
        %mul3A_287 = arith.constant 2.000000e-01 : f32
        %mul3A_288 = vector.broadcast %mul3A_287 : f32 to vector<16xf32>
        %mul3A_289 = arith.mulf %mul3A_288, %add3A_286 : vector<16xf32>
        %max3A = arith.maximumf %add3A_286, %mul3A_289 : vector<16xf32>
        %exp3A = math.exp %max3A : vector<16xf32>
        %swap3A = arith.index_cast %mul3A_271 : i32 to index
        %swap3A_290 = tpu.vector_load %arg13[%swap3A] {strides = array<i32>} : memref<2000xf32, #tpu.memory_space<vmem>>, vector<16xf32>,
        tpu.vector_store %arg13[%swap3A], %exp3A {strides = array<i32>} : memref<2000xf32, #tpu.memory_space<vmem>>, vector<16xf32>,
        %broadcast_in_dim3A_291 = arith.constant true
        %broadcast_in_dim3A_292 = vector.broadcast %broadcast_in_dim3A_291 : i1 to vector<16xi1>
        %masked_cumsum3A = tpu.scan <sum>, %exp3A masked %broadcast_in_dim3A_292 : vector<16xf32>, vector<16xi1> -> vector<16xf32>
        %ne3A_293 = arith.cmpi ne, %get3A_274, %get3A_278 : vector<16xi32>
        %or3A = arith.ori %ne3A_293, %eq3A_43 : vector<16xi1>
        %ne3A_294 = arith.cmpi ne, %get3A_274, %get3A_282 : vector<16xi32>
        %or3A_295 = arith.ori %ne3A_294, %eq3A_46 : vector<16xi1>
        %sub3A_296 = arith.subf %exp3A, %masked_cumsum3A : vector<16xf32>
        tpu.vector_store_idx %arg8[%get3A_274], %sub3A_296 masked %or3A {add = true} : memref<10000xf32, #tpu.memory_space<vmem>>[vector<16xi32>], vector<16xf32>, vector<16xi1>
        tpu.vector_store_idx %arg8[%get3A_274], %masked_cumsum3A masked %or3A_295 {add = true} : memref<10000xf32, #tpu.memory_space<vmem>>[vector<16xi32>], vector<16xf32>, vector<16xi1>
        %mul3A_297 = arith.constant 5 : i32
        %mul3A_298 = arith.muli %scan3A_265, %mul3A_297 : i32
        %add3A_299 = arith.constant 1 : i32
        %add3A_300 = arith.addi %mul3A_298, %add3A_299 : i32
        %mul3A_301 = arith.constant 16 : i32
        %mul3A_302 = arith.muli %add3A_300, %mul3A_301 : i32
        %add3A_303 = arith.constant 16 : i32
        %add3A_304 = arith.addi %mul3A_302, %add3A_303 : i32
        %get3A_305 = arith.index_cast %add3A_304 : i32 to index
        %get3A_306 = tpu.vector_load %arg9[%get3A_305] {strides = array<i32>} : memref<2032xi32, #tpu.memory_space<vmem>>, vector<16xi32>,
        %add3A_307 = arith.constant 15 : i32
        %add3A_308 = arith.addi %mul3A_302, %add3A_307 : i32
        %get3A_309 = arith.index_cast %add3A_308 : i32 to index
        %get3A_310 = tpu.vector_load %arg9[%get3A_309] {strides = array<i32>} : memref<2032xi32, #tpu.memory_space<vmem>>, vector<16xi32>,
        %add3A_311 = arith.constant 17 : i32
        %add3A_312 = arith.addi %mul3A_302, %add3A_311 : i32
        %get3A_313 = arith.index_cast %add3A_312 : i32 to index
        %get3A_314 = tpu.vector_load %arg9[%get3A_313] {strides = array<i32>} : memref<2032xi32, #tpu.memory_space<vmem>>, vector<16xi32>,
        %get3A_315 = arith.index_cast %mul3A_302 : i32 to index
        %get3A_316 = tpu.vector_load %arg11[%get3A_315] {strides = array<i32>} : memref<2000xi32, #tpu.memory_space<vmem>>, vector<16xi32>,
        %gather3A_317 = tpu.vector_load_idx %arg6[%get3A_306] : memref<10000xf32, #tpu.memory_space<vmem>>[vector<16xi32>], vector<16xf32>,
        %gather3A_318 = tpu.vector_load_idx %arg7[%get3A_316] : memref<10000xf32, #tpu.memory_space<vmem>>[vector<16xi32>], vector<16xf32>,
        %add3A_319 = arith.addf %gather3A_317, %gather3A_318 : vector<16xf32>
        %mul3A_320 = arith.constant 2.000000e-01 : f32
        %mul3A_321 = vector.broadcast %mul3A_320 : f32 to vector<16xf32>
        %mul3A_322 = arith.mulf %mul3A_321, %add3A_319 : vector<16xf32>
        %max3A_323 = arith.maximumf %add3A_319, %mul3A_322 : vector<16xf32>
        %exp3A_324 = math.exp %max3A_323 : vector<16xf32>
        %swap3A_325 = arith.index_cast %mul3A_302 : i32 to index
        %swap3A_326 = tpu.vector_load %arg13[%swap3A_325] {strides = array<i32>} : memref<2000xf32, #tpu.memory_space<vmem>>, vector<16xf32>,
        tpu.vector_store %arg13[%swap3A_325], %exp3A_324 {strides = array<i32>} : memref<2000xf32, #tpu.memory_space<vmem>>, vector<16xf32>,
        %broadcast_in_dim3A_327 = arith.constant true
        %broadcast_in_dim3A_328 = vector.broadcast %broadcast_in_dim3A_327 : i1 to vector<16xi1>
        %masked_cumsum3A_329 = tpu.scan <sum>, %exp3A_324 masked %broadcast_in_dim3A_328 : vector<16xf32>, vector<16xi1> -> vector<16xf32>
        %ne3A_330 = arith.cmpi ne, %get3A_306, %get3A_310 : vector<16xi32>
        %or3A_331 = arith.ori %ne3A_330, %eq3A_43 : vector<16xi1>
        %ne3A_332 = arith.cmpi ne, %get3A_306, %get3A_314 : vector<16xi32>
        %or3A_333 = arith.ori %ne3A_332, %eq3A_46 : vector<16xi1>
        %sub3A_334 = arith.subf %exp3A_324, %masked_cumsum3A_329 : vector<16xf32>
        tpu.vector_store_idx %arg8[%get3A_306], %sub3A_334 masked %or3A_331 {add = true} : memref<10000xf32, #tpu.memory_space<vmem>>[vector<16xi32>], vector<16xf32>, vector<16xi1>
        tpu.vector_store_idx %arg8[%get3A_306], %masked_cumsum3A_329 masked %or3A_333 {add = true} : memref<10000xf32, #tpu.memory_space<vmem>>[vector<16xi32>], vector<16xf32>, vector<16xi1>
        %mul3A_335 = arith.constant 5 : i32
        %mul3A_336 = arith.muli %scan3A_265, %mul3A_335 : i32
        %add3A_337 = arith.constant 2 : i32
        %add3A_338 = arith.addi %mul3A_336, %add3A_337 : i32
        %mul3A_339 = arith.constant 16 : i32
        %mul3A_340 = arith.muli %add3A_338, %mul3A_339 : i32
        %add3A_341 = arith.constant 16 : i32
        %add3A_342 = arith.addi %mul3A_340, %add3A_341 : i32
        %get3A_343 = arith.index_cast %add3A_342 : i32 to index
        %get3A_344 = tpu.vector_load %arg9[%get3A_343] {strides = array<i32>} : memref<2032xi32, #tpu.memory_space<vmem>>, vector<16xi32>,
        %add3A_345 = arith.constant 15 : i32
        %add3A_346 = arith.addi %mul3A_340, %add3A_345 : i32
        %get3A_347 = arith.index_cast %add3A_346 : i32 to index
        %get3A_348 = tpu.vector_load %arg9[%get3A_347] {strides = array<i32>} : memref<2032xi32, #tpu.memory_space<vmem>>, vector<16xi32>,
        %add3A_349 = arith.constant 17 : i32
        %add3A_350 = arith.addi %mul3A_340, %add3A_349 : i32
        %get3A_351 = arith.index_cast %add3A_350 : i32 to index
        %get3A_352 = tpu.vector_load %arg9[%get3A_351] {strides = array<i32>} : memref<2032xi32, #tpu.memory_space<vmem>>, vector<16xi32>,
        %get3A_353 = arith.index_cast %mul3A_340 : i32 to index
        %get3A_354 = tpu.vector_load %arg11[%get3A_353] {strides = array<i32>} : memref<2000xi32, #tpu.memory_space<vmem>>, vector<16xi32>,
        %gather3A_355 = tpu.vector_load_idx %arg6[%get3A_344] : memref<10000xf32, #tpu.memory_space<vmem>>[vector<16xi32>], vector<16xf32>,
        %gather3A_356 = tpu.vector_load_idx %arg7[%get3A_354] : memref<10000xf32, #tpu.memory_space<vmem>>[vector<16xi32>], vector<16xf32>,
        %add3A_357 = arith.addf %gather3A_355, %gather3A_356 : vector<16xf32>
        %mul3A_358 = arith.constant 2.000000e-01 : f32
        %mul3A_359 = vector.broadcast %mul3A_358 : f32 to vector<16xf32>
        %mul3A_360 = arith.mulf %mul3A_359, %add3A_357 : vector<16xf32>
        %max3A_361 = arith.maximumf %add3A_357, %mul3A_360 : vector<16xf32>
        %exp3A_362 = math.exp %max3A_361 : vector<16xf32>
        %swap3A_363 = arith.index_cast %mul3A_340 : i32 to index
        %swap3A_364 = tpu.vector_load %arg13[%swap3A_363] {strides = array<i32>} : memref<2000xf32, #tpu.memory_space<vmem>>, vector<16xf32>,
        tpu.vector_store %arg13[%swap3A_363], %exp3A_362 {strides = array<i32>} : memref<2000xf32, #tpu.memory_space<vmem>>, vector<16xf32>,
        %broadcast_in_dim3A_365 = arith.constant true
        %broadcast_in_dim3A_366 = vector.broadcast %broadcast_in_dim3A_365 : i1 to vector<16xi1>
        %masked_cumsum3A_367 = tpu.scan <sum>, %exp3A_362 masked %broadcast_in_dim3A_366 : vector<16xf32>, vector<16xi1> -> vector<16xf32>
        %ne3A_368 = arith.cmpi ne, %get3A_344, %get3A_348 : vector<16xi32>
        %or3A_369 = arith.ori %ne3A_368, %eq3A_43 : vector<16xi1>
        %ne3A_370 = arith.cmpi ne, %get3A_344, %get3A_352 : vector<16xi32>
        %or3A_371 = arith.ori %ne3A_370, %eq3A_46 : vector<16xi1>
        %sub3A_372 = arith.subf %exp3A_362, %masked_cumsum3A_367 : vector<16xf32>
        tpu.vector_store_idx %arg8[%get3A_344], %sub3A_372 masked %or3A_369 {add = true} : memref<10000xf32, #tpu.memory_space<vmem>>[vector<16xi32>], vector<16xf32>, vector<16xi1>
        tpu.vector_store_idx %arg8[%get3A_344], %masked_cumsum3A_367 masked %or3A_371 {add = true} : memref<10000xf32, #tpu.memory_space<vmem>>[vector<16xi32>], vector<16xf32>, vector<16xi1>
        %mul3A_373 = arith.constant 5 : i32
        %mul3A_374 = arith.muli %scan3A_265, %mul3A_373 : i32
        %add3A_375 = arith.constant 3 : i32
        %add3A_376 = arith.addi %mul3A_374, %add3A_375 : i32
        %mul3A_377 = arith.constant 16 : i32
        %mul3A_378 = arith.muli %add3A_376, %mul3A_377 : i32
        %add3A_379 = arith.constant 16 : i32
        %add3A_380 = arith.addi %mul3A_378, %add3A_379 : i32
        %get3A_381 = arith.index_cast %add3A_380 : i32 to index
        %get3A_382 = tpu.vector_load %arg9[%get3A_381] {strides = array<i32>} : memref<2032xi32, #tpu.memory_space<vmem>>, vector<16xi32>,
        %add3A_383 = arith.constant 15 : i32
        %add3A_384 = arith.addi %mul3A_378, %add3A_383 : i32
        %get3A_385 = arith.index_cast %add3A_384 : i32 to index
        %get3A_386 = tpu.vector_load %arg9[%get3A_385] {strides = array<i32>} : memref<2032xi32, #tpu.memory_space<vmem>>, vector<16xi32>,
        %add3A_387 = arith.constant 17 : i32
        %add3A_388 = arith.addi %mul3A_378, %add3A_387 : i32
        %get3A_389 = arith.index_cast %add3A_388 : i32 to index
        %get3A_390 = tpu.vector_load %arg9[%get3A_389] {strides = array<i32>} : memref<2032xi32, #tpu.memory_space<vmem>>, vector<16xi32>,
        %get3A_391 = arith.index_cast %mul3A_378 : i32 to index
        %get3A_392 = tpu.vector_load %arg11[%get3A_391] {strides = array<i32>} : memref<2000xi32, #tpu.memory_space<vmem>>, vector<16xi32>,
        %gather3A_393 = tpu.vector_load_idx %arg6[%get3A_382] : memref<10000xf32, #tpu.memory_space<vmem>>[vector<16xi32>], vector<16xf32>,
        %gather3A_394 = tpu.vector_load_idx %arg7[%get3A_392] : memref<10000xf32, #tpu.memory_space<vmem>>[vector<16xi32>], vector<16xf32>,
        %add3A_395 = arith.addf %gather3A_393, %gather3A_394 : vector<16xf32>
        %mul3A_396 = arith.constant 2.000000e-01 : f32
        %mul3A_397 = vector.broadcast %mul3A_396 : f32 to vector<16xf32>
        %mul3A_398 = arith.mulf %mul3A_397, %add3A_395 : vector<16xf32>
        %max3A_399 = arith.maximumf %add3A_395, %mul3A_398 : vector<16xf32>
        %exp3A_400 = math.exp %max3A_399 : vector<16xf32>
        %swap3A_401 = arith.index_cast %mul3A_378 : i32 to index
        %swap3A_402 = tpu.vector_load %arg13[%swap3A_401] {strides = array<i32>} : memref<2000xf32, #tpu.memory_space<vmem>>, vector<16xf32>,
        tpu.vector_store %arg13[%swap3A_401], %exp3A_400 {strides = array<i32>} : memref<2000xf32, #tpu.memory_space<vmem>>, vector<16xf32>,
        %broadcast_in_dim3A_403 = arith.constant true
        %broadcast_in_dim3A_404 = vector.broadcast %broadcast_in_dim3A_403 : i1 to vector<16xi1>
        %masked_cumsum3A_405 = tpu.scan <sum>, %exp3A_400 masked %broadcast_in_dim3A_404 : vector<16xf32>, vector<16xi1> -> vector<16xf32>
        %ne3A_406 = arith.cmpi ne, %get3A_382, %get3A_386 : vector<16xi32>
        %or3A_407 = arith.ori %ne3A_406, %eq3A_43 : vector<16xi1>
        %ne3A_408 = arith.cmpi ne, %get3A_382, %get3A_390 : vector<16xi32>
        %or3A_409 = arith.ori %ne3A_408, %eq3A_46 : vector<16xi1>
        %sub3A_410 = arith.subf %exp3A_400, %masked_cumsum3A_405 : vector<16xf32>
        tpu.vector_store_idx %arg8[%get3A_382], %sub3A_410 masked %or3A_407 {add = true} : memref<10000xf32, #tpu.memory_space<vmem>>[vector<16xi32>], vector<16xf32>, vector<16xi1>
        tpu.vector_store_idx %arg8[%get3A_382], %masked_cumsum3A_405 masked %or3A_409 {add = true} : memref<10000xf32, #tpu.memory_space<vmem>>[vector<16xi32>], vector<16xf32>, vector<16xi1>
        %mul3A_411 = arith.constant 5 : i32
        %mul3A_412 = arith.muli %scan3A_265, %mul3A_411 : i32
        %add3A_413 = arith.constant 4 : i32
        %add3A_414 = arith.addi %mul3A_412, %add3A_413 : i32
        %mul3A_415 = arith.constant 16 : i32
        %mul3A_416 = arith.muli %add3A_414, %mul3A_415 : i32
        %add3A_417 = arith.constant 16 : i32
        %add3A_418 = arith.addi %mul3A_416, %add3A_417 : i32
        %get3A_419 = arith.index_cast %add3A_418 : i32 to index
        %get3A_420 = tpu.vector_load %arg9[%get3A_419] {strides = array<i32>} : memref<2032xi32, #tpu.memory_space<vmem>>, vector<16xi32>,
        %add3A_421 = arith.constant 15 : i32
        %add3A_422 = arith.addi %mul3A_416, %add3A_421 : i32
        %get3A_423 = arith.index_cast %add3A_422 : i32 to index
        %get3A_424 = tpu.vector_load %arg9[%get3A_423] {strides = array<i32>} : memref<2032xi32, #tpu.memory_space<vmem>>, vector<16xi32>,
        %add3A_425 = arith.constant 17 : i32
        %add3A_426 = arith.addi %mul3A_416, %add3A_425 : i32
        %get3A_427 = arith.index_cast %add3A_426 : i32 to index
        %get3A_428 = tpu.vector_load %arg9[%get3A_427] {strides = array<i32>} : memref<2032xi32, #tpu.memory_space<vmem>>, vector<16xi32>,
        %get3A_429 = arith.index_cast %mul3A_416 : i32 to index
        %get3A_430 = tpu.vector_load %arg11[%get3A_429] {strides = array<i32>} : memref<2000xi32, #tpu.memory_space<vmem>>, vector<16xi32>,
        %gather3A_431 = tpu.vector_load_idx %arg6[%get3A_420] : memref<10000xf32, #tpu.memory_space<vmem>>[vector<16xi32>], vector<16xf32>,
        %gather3A_432 = tpu.vector_load_idx %arg7[%get3A_430] : memref<10000xf32, #tpu.memory_space<vmem>>[vector<16xi32>], vector<16xf32>,
        %add3A_433 = arith.addf %gather3A_431, %gather3A_432 : vector<16xf32>
        %mul3A_434 = arith.constant 2.000000e-01 : f32
        %mul3A_435 = vector.broadcast %mul3A_434 : f32 to vector<16xf32>
        %mul3A_436 = arith.mulf %mul3A_435, %add3A_433 : vector<16xf32>
        %max3A_437 = arith.maximumf %add3A_433, %mul3A_436 : vector<16xf32>
        %exp3A_438 = math.exp %max3A_437 : vector<16xf32>
        %swap3A_439 = arith.index_cast %mul3A_416 : i32 to index
        %swap3A_440 = tpu.vector_load %arg13[%swap3A_439] {strides = array<i32>} : memref<2000xf32, #tpu.memory_space<vmem>>, vector<16xf32>,
        tpu.vector_store %arg13[%swap3A_439], %exp3A_438 {strides = array<i32>} : memref<2000xf32, #tpu.memory_space<vmem>>, vector<16xf32>,
        %broadcast_in_dim3A_441 = arith.constant true
        %broadcast_in_dim3A_442 = vector.broadcast %broadcast_in_dim3A_441 : i1 to vector<16xi1>
        %masked_cumsum3A_443 = tpu.scan <sum>, %exp3A_438 masked %broadcast_in_dim3A_442 : vector<16xf32>, vector<16xi1> -> vector<16xf32>
        %ne3A_444 = arith.cmpi ne, %get3A_420, %get3A_424 : vector<16xi32>
        %or3A_445 = arith.ori %ne3A_444, %eq3A_43 : vector<16xi1>
        %ne3A_446 = arith.cmpi ne, %get3A_420, %get3A_428 : vector<16xi32>
        %or3A_447 = arith.ori %ne3A_446, %eq3A_46 : vector<16xi1>
        %sub3A_448 = arith.subf %exp3A_438, %masked_cumsum3A_443 : vector<16xf32>
        tpu.vector_store_idx %arg8[%get3A_420], %sub3A_448 masked %or3A_445 {add = true} : memref<10000xf32, #tpu.memory_space<vmem>>[vector<16xi32>], vector<16xf32>, vector<16xi1>
        tpu.vector_store_idx %arg8[%get3A_420], %masked_cumsum3A_443 masked %or3A_447 {add = true} : memref<10000xf32, #tpu.memory_space<vmem>>[vector<16xi32>], vector<16xf32>, vector<16xi1>
      }
      %scan3A_205 = arith.constant 25 : i32
      %mul3A_206 = arith.constant 320000 : i32
      %mul3A_207 = arith.muli %add3A, %mul3A_206 : i32
      %add3A_208 = arith.addi %mul3A_207, %mul3A_32 : i32
      %mul3A_209 = arith.constant 2000 : i32
      %mul3A_210 = arith.muli %add3A_185, %mul3A_209 : i32
      %add3A_211 = arith.addi %add3A_208, %mul3A_210 : i32
      %multiple_of3A_212 = tpu.assume_multiple %add3A_211, 8 : i32
      %dma_start3A_213 = tpu.memref_slice %arg5[%multiple_of3A_212] : memref<2560000xf32, #tpu.memory_space<hbm>> -> memref<2000xf32, #tpu.memory_space<hbm>>
      %dma_start3A_214 = tpu.memref_slice %arg5[%multiple_of3A_212] : memref<2560000xf32, #tpu.memory_space<hbm>> -> memref<2000xf32, #tpu.memory_space<hbm>>
      tpu.enqueue_dma source(%arg13 : memref<2000xf32, #tpu.memory_space<vmem>>) target(%dma_start3A_214 : memref<2000xf32, #tpu.memory_space<hbm>>) target_semaphore(%arg23 : memref<!tpu.dma_semaphore, #tpu.memory_space<semaphore_mem>>)
      %add3A_215 = arith.constant 2 : i32
      %add3A_216 = arith.addi %add3A_185, %add3A_215 : i32
      %lt3A_217 = arith.constant 40 : i32
      %lt3A_218 = arith.cmpi slt, %add3A_216, %lt3A_217 : i32
      %convert_element_type3A_219 = arith.extui %lt3A_218 : i1 to i32
      %cond3A_220 = arith.constant 0 : i32
      %cond3A_221 = arith.cmpi ne, %convert_element_type3A_219, %cond3A_220 : i32
      scf.if %cond3A_221 {
        %add3A_265 = arith.constant 2 : i32
        %add3A_266 = arith.addi %add3A_185, %add3A_265 : i32
        %mul3A_267 = arith.constant 2000 : i32
        %mul3A_268 = arith.muli %add3A_266, %mul3A_267 : i32
        %add3A_269 = arith.addi %mul3A_32, %mul3A_268 : i32
        %multiple_of3A_270 = tpu.assume_multiple %add3A_269, 8 : i32
        %dma_start3A_271 = tpu.memref_slice %arg3[%multiple_of3A_270] : memref<320032xi32, #tpu.memory_space<hbm>> -> memref<2032xi32, #tpu.memory_space<hbm>>
        %dma_start3A_272 = tpu.memref_slice %arg3[%multiple_of3A_270] : memref<320032xi32, #tpu.memory_space<hbm>> -> memref<2032xi32, #tpu.memory_space<hbm>>
        tpu.enqueue_dma source(%dma_start3A_272 : memref<2032xi32, #tpu.memory_space<hbm>>) target(%arg9 : memref<2032xi32, #tpu.memory_space<vmem>>) target_semaphore(%arg19 : memref<!tpu.dma_semaphore, #tpu.memory_space<semaphore_mem>>)
        %add3A_273 = arith.constant 2 : i32
        %add3A_274 = arith.addi %add3A_185, %add3A_273 : i32
        %mul3A_275 = arith.constant 2000 : i32
        %mul3A_276 = arith.muli %add3A_274, %mul3A_275 : i32
        %add3A_277 = arith.addi %mul3A_32, %mul3A_276 : i32
        %multiple_of3A_278 = tpu.assume_multiple %add3A_277, 8 : i32
        %dma_start3A_279 = tpu.memref_slice %arg4[%multiple_of3A_278] : memref<320000xi32, #tpu.memory_space<hbm>> -> memref<2000xi32, #tpu.memory_space<hbm>>
        %dma_start3A_280 = tpu.memref_slice %arg4[%multiple_of3A_278] : memref<320000xi32, #tpu.memory_space<hbm>> -> memref<2000xi32, #tpu.memory_space<hbm>>
        tpu.enqueue_dma source(%dma_start3A_280 : memref<2000xi32, #tpu.memory_space<hbm>>) target(%arg11 : memref<2000xi32, #tpu.memory_space<vmem>>) target_semaphore(%arg21 : memref<!tpu.dma_semaphore, #tpu.memory_space<semaphore_mem>>)
      } else {
      }
      %mul3A_222 = arith.constant 2 : i32
      %mul3A_223 = arith.muli %scan3A_181, %mul3A_222 : i32
      %add3A_224 = arith.constant 1 : i32
      %add3A_225 = arith.addi %mul3A_223, %add3A_224 : i32
      %mul3A_226 = arith.constant 2000 : i32
      %mul3A_227 = arith.muli %add3A_225, %mul3A_226 : i32
      %add3A_228 = arith.addi %mul3A_32, %mul3A_227 : i32
      %multiple_of3A_229 = tpu.assume_multiple %add3A_228, 8 : i32
      %dma_wait3A_230 = tpu.memref_slice %arg3[%multiple_of3A_229] : memref<320032xi32, #tpu.memory_space<hbm>> -> memref<2032xi32, #tpu.memory_space<hbm>>
      %dma_wait3A_231 = tpu.memref_slice %arg3[%multiple_of3A_229] : memref<320032xi32, #tpu.memory_space<hbm>> -> memref<2032xi32, #tpu.memory_space<hbm>>
      tpu.wait_dma2 semaphore(%arg20 : memref<!tpu.dma_semaphore, #tpu.memory_space<semaphore_mem>>) src(%dma_wait3A_231 : memref<2032xi32, #tpu.memory_space<hbm>>) dst(%arg10 : memref<2032xi32, #tpu.memory_space<vmem>>)
      %mul3A_232 = arith.constant 2000 : i32
      %mul3A_233 = arith.muli %add3A_225, %mul3A_232 : i32
      %add3A_234 = arith.addi %mul3A_32, %mul3A_233 : i32
      %multiple_of3A_235 = tpu.assume_multiple %add3A_234, 8 : i32
      %dma_wait3A_236 = tpu.memref_slice %arg4[%multiple_of3A_235] : memref<320000xi32, #tpu.memory_space<hbm>> -> memref<2000xi32, #tpu.memory_space<hbm>>
      %dma_wait3A_237 = tpu.memref_slice %arg4[%multiple_of3A_235] : memref<320000xi32, #tpu.memory_space<hbm>> -> memref<2000xi32, #tpu.memory_space<hbm>>
      tpu.wait_dma2 semaphore(%arg22 : memref<!tpu.dma_semaphore, #tpu.memory_space<semaphore_mem>>) src(%dma_wait3A_237 : memref<2000xi32, #tpu.memory_space<hbm>>) dst(%arg12 : memref<2000xi32, #tpu.memory_space<vmem>>)
      %gt3A_238 = arith.constant 0 : i32
      %gt3A_239 = arith.cmpi sgt, %scan3A_181, %gt3A_238 : i32
      %convert_element_type3A_240 = arith.extui %gt3A_239 : i1 to i32
      %cond3A_241 = arith.constant 0 : i32
      %cond3A_242 = arith.cmpi ne, %convert_element_type3A_240, %cond3A_241 : i32
      scf.if %cond3A_242 {
        %sub3A_265 = arith.constant 2 : i32
        %sub3A_266 = arith.subi %add3A_225, %sub3A_265 : i32
        %mul3A_267 = arith.constant 320000 : i32
        %mul3A_268 = arith.muli %add3A, %mul3A_267 : i32
        %add3A_269 = arith.addi %mul3A_268, %mul3A_32 : i32
        %mul3A_270 = arith.constant 2000 : i32
        %mul3A_271 = arith.muli %sub3A_266, %mul3A_270 : i32
        %add3A_272 = arith.addi %add3A_269, %mul3A_271 : i32
        %multiple_of3A_273 = tpu.assume_multiple %add3A_272, 8 : i32
        %dma_wait3A_274 = tpu.memref_slice %arg5[%multiple_of3A_273] : memref<2560000xf32, #tpu.memory_space<hbm>> -> memref<2000xf32, #tpu.memory_space<hbm>>
        %dma_wait3A_275 = tpu.memref_slice %arg5[%multiple_of3A_273] : memref<2560000xf32, #tpu.memory_space<hbm>> -> memref<2000xf32, #tpu.memory_space<hbm>>
        tpu.wait_dma2 semaphore(%arg24 : memref<!tpu.dma_semaphore, #tpu.memory_space<semaphore_mem>>) src(%arg14 : memref<2000xf32, #tpu.memory_space<vmem>>) dst(%dma_wait3A_275 : memref<2000xf32, #tpu.memory_space<hbm>>)
      } else {
      }
      %scan3A_243 = arith.constant 0 : i32
      %scan3A_244 = arith.constant 0 : i32
      %scan3A_245 = arith.constant 25 : i32
      %scan3A_246 = arith.addi %scan3A_244, %scan3A_245 : i32
      %scan3A_247 = arith.constant 1 : i32
      scf.for %scan3A_265 = %scan3A_244 to %scan3A_246 step %scan3A_247  : i32 {
        %mul3A_266 = arith.constant 5 : i32
        %mul3A_267 = arith.muli %scan3A_265, %mul3A_266 : i32
        %add3A_268 = arith.constant 0 : i32
        %add3A_269 = arith.addi %mul3A_267, %add3A_268 : i32
        %mul3A_270 = arith.constant 16 : i32
        %mul3A_271 = arith.muli %add3A_269, %mul3A_270 : i32
        %add3A_272 = arith.constant 16 : i32
        %add3A_273 = arith.addi %mul3A_271, %add3A_272 : i32
        %get3A = arith.index_cast %add3A_273 : i32 to index
        %get3A_274 = tpu.vector_load %arg10[%get3A] {strides = array<i32>} : memref<2032xi32, #tpu.memory_space<vmem>>, vector<16xi32>,
        %add3A_275 = arith.constant 15 : i32
        %add3A_276 = arith.addi %mul3A_271, %add3A_275 : i32
        %get3A_277 = arith.index_cast %add3A_276 : i32 to index
        %get3A_278 = tpu.vector_load %arg10[%get3A_277] {strides = array<i32>} : memref<2032xi32, #tpu.memory_space<vmem>>, vector<16xi32>,
        %add3A_279 = arith.constant 17 : i32
        %add3A_280 = arith.addi %mul3A_271, %add3A_279 : i32
        %get3A_281 = arith.index_cast %add3A_280 : i32 to index
        %get3A_282 = tpu.vector_load %arg10[%get3A_281] {strides = array<i32>} : memref<2032xi32, #tpu.memory_space<vmem>>, vector<16xi32>,
        %get3A_283 = arith.index_cast %mul3A_271 : i32 to index
        %get3A_284 = tpu.vector_load %arg12[%get3A_283] {strides = array<i32>} : memref<2000xi32, #tpu.memory_space<vmem>>, vector<16xi32>,
        %gather3A = tpu.vector_load_idx %arg6[%get3A_274] : memref<10000xf32, #tpu.memory_space<vmem>>[vector<16xi32>], vector<16xf32>,
        %gather3A_285 = tpu.vector_load_idx %arg7[%get3A_284] : memref<10000xf32, #tpu.memory_space<vmem>>[vector<16xi32>], vector<16xf32>,
        %add3A_286 = arith.addf %gather3A, %gather3A_285 : vector<16xf32>
        %mul3A_287 = arith.constant 2.000000e-01 : f32
        %mul3A_288 = vector.broadcast %mul3A_287 : f32 to vector<16xf32>
        %mul3A_289 = arith.mulf %mul3A_288, %add3A_286 : vector<16xf32>
        %max3A = arith.maximumf %add3A_286, %mul3A_289 : vector<16xf32>
        %exp3A = math.exp %max3A : vector<16xf32>
        %swap3A = arith.index_cast %mul3A_271 : i32 to index
        %swap3A_290 = tpu.vector_load %arg14[%swap3A] {strides = array<i32>} : memref<2000xf32, #tpu.memory_space<vmem>>, vector<16xf32>,
        tpu.vector_store %arg14[%swap3A], %exp3A {strides = array<i32>} : memref<2000xf32, #tpu.memory_space<vmem>>, vector<16xf32>,
        %broadcast_in_dim3A_291 = arith.constant true
        %broadcast_in_dim3A_292 = vector.broadcast %broadcast_in_dim3A_291 : i1 to vector<16xi1>
        %masked_cumsum3A = tpu.scan <sum>, %exp3A masked %broadcast_in_dim3A_292 : vector<16xf32>, vector<16xi1> -> vector<16xf32>
        %ne3A_293 = arith.cmpi ne, %get3A_274, %get3A_278 : vector<16xi32>
        %or3A = arith.ori %ne3A_293, %eq3A_43 : vector<16xi1>
        %ne3A_294 = arith.cmpi ne, %get3A_274, %get3A_282 : vector<16xi32>
        %or3A_295 = arith.ori %ne3A_294, %eq3A_46 : vector<16xi1>
        %sub3A_296 = arith.subf %exp3A, %masked_cumsum3A : vector<16xf32>
        tpu.vector_store_idx %arg8[%get3A_274], %sub3A_296 masked %or3A {add = true} : memref<10000xf32, #tpu.memory_space<vmem>>[vector<16xi32>], vector<16xf32>, vector<16xi1>
        tpu.vector_store_idx %arg8[%get3A_274], %masked_cumsum3A masked %or3A_295 {add = true} : memref<10000xf32, #tpu.memory_space<vmem>>[vector<16xi32>], vector<16xf32>, vector<16xi1>
        %mul3A_297 = arith.constant 5 : i32
        %mul3A_298 = arith.muli %scan3A_265, %mul3A_297 : i32
        %add3A_299 = arith.constant 1 : i32
        %add3A_300 = arith.addi %mul3A_298, %add3A_299 : i32
        %mul3A_301 = arith.constant 16 : i32
        %mul3A_302 = arith.muli %add3A_300, %mul3A_301 : i32
        %add3A_303 = arith.constant 16 : i32
        %add3A_304 = arith.addi %mul3A_302, %add3A_303 : i32
        %get3A_305 = arith.index_cast %add3A_304 : i32 to index
        %get3A_306 = tpu.vector_load %arg10[%get3A_305] {strides = array<i32>} : memref<2032xi32, #tpu.memory_space<vmem>>, vector<16xi32>,
        %add3A_307 = arith.constant 15 : i32
        %add3A_308 = arith.addi %mul3A_302, %add3A_307 : i32
        %get3A_309 = arith.index_cast %add3A_308 : i32 to index
        %get3A_310 = tpu.vector_load %arg10[%get3A_309] {strides = array<i32>} : memref<2032xi32, #tpu.memory_space<vmem>>, vector<16xi32>,
        %add3A_311 = arith.constant 17 : i32
        %add3A_312 = arith.addi %mul3A_302, %add3A_311 : i32
        %get3A_313 = arith.index_cast %add3A_312 : i32 to index
        %get3A_314 = tpu.vector_load %arg10[%get3A_313] {strides = array<i32>} : memref<2032xi32, #tpu.memory_space<vmem>>, vector<16xi32>,
        %get3A_315 = arith.index_cast %mul3A_302 : i32 to index
        %get3A_316 = tpu.vector_load %arg12[%get3A_315] {strides = array<i32>} : memref<2000xi32, #tpu.memory_space<vmem>>, vector<16xi32>,
        %gather3A_317 = tpu.vector_load_idx %arg6[%get3A_306] : memref<10000xf32, #tpu.memory_space<vmem>>[vector<16xi32>], vector<16xf32>,
        %gather3A_318 = tpu.vector_load_idx %arg7[%get3A_316] : memref<10000xf32, #tpu.memory_space<vmem>>[vector<16xi32>], vector<16xf32>,
        %add3A_319 = arith.addf %gather3A_317, %gather3A_318 : vector<16xf32>
        %mul3A_320 = arith.constant 2.000000e-01 : f32
        %mul3A_321 = vector.broadcast %mul3A_320 : f32 to vector<16xf32>
        %mul3A_322 = arith.mulf %mul3A_321, %add3A_319 : vector<16xf32>
        %max3A_323 = arith.maximumf %add3A_319, %mul3A_322 : vector<16xf32>
        %exp3A_324 = math.exp %max3A_323 : vector<16xf32>
        %swap3A_325 = arith.index_cast %mul3A_302 : i32 to index
        %swap3A_326 = tpu.vector_load %arg14[%swap3A_325] {strides = array<i32>} : memref<2000xf32, #tpu.memory_space<vmem>>, vector<16xf32>,
        tpu.vector_store %arg14[%swap3A_325], %exp3A_324 {strides = array<i32>} : memref<2000xf32, #tpu.memory_space<vmem>>, vector<16xf32>,
        %broadcast_in_dim3A_327 = arith.constant true
        %broadcast_in_dim3A_328 = vector.broadcast %broadcast_in_dim3A_327 : i1 to vector<16xi1>
        %masked_cumsum3A_329 = tpu.scan <sum>, %exp3A_324 masked %broadcast_in_dim3A_328 : vector<16xf32>, vector<16xi1> -> vector<16xf32>
        %ne3A_330 = arith.cmpi ne, %get3A_306, %get3A_310 : vector<16xi32>
        %or3A_331 = arith.ori %ne3A_330, %eq3A_43 : vector<16xi1>
        %ne3A_332 = arith.cmpi ne, %get3A_306, %get3A_314 : vector<16xi32>
        %or3A_333 = arith.ori %ne3A_332, %eq3A_46 : vector<16xi1>
        %sub3A_334 = arith.subf %exp3A_324, %masked_cumsum3A_329 : vector<16xf32>
        tpu.vector_store_idx %arg8[%get3A_306], %sub3A_334 masked %or3A_331 {add = true} : memref<10000xf32, #tpu.memory_space<vmem>>[vector<16xi32>], vector<16xf32>, vector<16xi1>
        tpu.vector_store_idx %arg8[%get3A_306], %masked_cumsum3A_329 masked %or3A_333 {add = true} : memref<10000xf32, #tpu.memory_space<vmem>>[vector<16xi32>], vector<16xf32>, vector<16xi1>
        %mul3A_335 = arith.constant 5 : i32
        %mul3A_336 = arith.muli %scan3A_265, %mul3A_335 : i32
        %add3A_337 = arith.constant 2 : i32
        %add3A_338 = arith.addi %mul3A_336, %add3A_337 : i32
        %mul3A_339 = arith.constant 16 : i32
        %mul3A_340 = arith.muli %add3A_338, %mul3A_339 : i32
        %add3A_341 = arith.constant 16 : i32
        %add3A_342 = arith.addi %mul3A_340, %add3A_341 : i32
        %get3A_343 = arith.index_cast %add3A_342 : i32 to index
        %get3A_344 = tpu.vector_load %arg10[%get3A_343] {strides = array<i32>} : memref<2032xi32, #tpu.memory_space<vmem>>, vector<16xi32>,
        %add3A_345 = arith.constant 15 : i32
        %add3A_346 = arith.addi %mul3A_340, %add3A_345 : i32
        %get3A_347 = arith.index_cast %add3A_346 : i32 to index
        %get3A_348 = tpu.vector_load %arg10[%get3A_347] {strides = array<i32>} : memref<2032xi32, #tpu.memory_space<vmem>>, vector<16xi32>,
        %add3A_349 = arith.constant 17 : i32
        %add3A_350 = arith.addi %mul3A_340, %add3A_349 : i32
        %get3A_351 = arith.index_cast %add3A_350 : i32 to index
        %get3A_352 = tpu.vector_load %arg10[%get3A_351] {strides = array<i32>} : memref<2032xi32, #tpu.memory_space<vmem>>, vector<16xi32>,
        %get3A_353 = arith.index_cast %mul3A_340 : i32 to index
        %get3A_354 = tpu.vector_load %arg12[%get3A_353] {strides = array<i32>} : memref<2000xi32, #tpu.memory_space<vmem>>, vector<16xi32>,
        %gather3A_355 = tpu.vector_load_idx %arg6[%get3A_344] : memref<10000xf32, #tpu.memory_space<vmem>>[vector<16xi32>], vector<16xf32>,
        %gather3A_356 = tpu.vector_load_idx %arg7[%get3A_354] : memref<10000xf32, #tpu.memory_space<vmem>>[vector<16xi32>], vector<16xf32>,
        %add3A_357 = arith.addf %gather3A_355, %gather3A_356 : vector<16xf32>
        %mul3A_358 = arith.constant 2.000000e-01 : f32
        %mul3A_359 = vector.broadcast %mul3A_358 : f32 to vector<16xf32>
        %mul3A_360 = arith.mulf %mul3A_359, %add3A_357 : vector<16xf32>
        %max3A_361 = arith.maximumf %add3A_357, %mul3A_360 : vector<16xf32>
        %exp3A_362 = math.exp %max3A_361 : vector<16xf32>
        %swap3A_363 = arith.index_cast %mul3A_340 : i32 to index
        %swap3A_364 = tpu.vector_load %arg14[%swap3A_363] {strides = array<i32>} : memref<2000xf32, #tpu.memory_space<vmem>>, vector<16xf32>,
        tpu.vector_store %arg14[%swap3A_363], %exp3A_362 {strides = array<i32>} : memref<2000xf32, #tpu.memory_space<vmem>>, vector<16xf32>,
        %broadcast_in_dim3A_365 = arith.constant true
        %broadcast_in_dim3A_366 = vector.broadcast %broadcast_in_dim3A_365 : i1 to vector<16xi1>
        %masked_cumsum3A_367 = tpu.scan <sum>, %exp3A_362 masked %broadcast_in_dim3A_366 : vector<16xf32>, vector<16xi1> -> vector<16xf32>
        %ne3A_368 = arith.cmpi ne, %get3A_344, %get3A_348 : vector<16xi32>
        %or3A_369 = arith.ori %ne3A_368, %eq3A_43 : vector<16xi1>
        %ne3A_370 = arith.cmpi ne, %get3A_344, %get3A_352 : vector<16xi32>
        %or3A_371 = arith.ori %ne3A_370, %eq3A_46 : vector<16xi1>
        %sub3A_372 = arith.subf %exp3A_362, %masked_cumsum3A_367 : vector<16xf32>
        tpu.vector_store_idx %arg8[%get3A_344], %sub3A_372 masked %or3A_369 {add = true} : memref<10000xf32, #tpu.memory_space<vmem>>[vector<16xi32>], vector<16xf32>, vector<16xi1>
        tpu.vector_store_idx %arg8[%get3A_344], %masked_cumsum3A_367 masked %or3A_371 {add = true} : memref<10000xf32, #tpu.memory_space<vmem>>[vector<16xi32>], vector<16xf32>, vector<16xi1>
        %mul3A_373 = arith.constant 5 : i32
        %mul3A_374 = arith.muli %scan3A_265, %mul3A_373 : i32
        %add3A_375 = arith.constant 3 : i32
        %add3A_376 = arith.addi %mul3A_374, %add3A_375 : i32
        %mul3A_377 = arith.constant 16 : i32
        %mul3A_378 = arith.muli %add3A_376, %mul3A_377 : i32
        %add3A_379 = arith.constant 16 : i32
        %add3A_380 = arith.addi %mul3A_378, %add3A_379 : i32
        %get3A_381 = arith.index_cast %add3A_380 : i32 to index
        %get3A_382 = tpu.vector_load %arg10[%get3A_381] {strides = array<i32>} : memref<2032xi32, #tpu.memory_space<vmem>>, vector<16xi32>,
        %add3A_383 = arith.constant 15 : i32
        %add3A_384 = arith.addi %mul3A_378, %add3A_383 : i32
        %get3A_385 = arith.index_cast %add3A_384 : i32 to index
        %get3A_386 = tpu.vector_load %arg10[%get3A_385] {strides = array<i32>} : memref<2032xi32, #tpu.memory_space<vmem>>, vector<16xi32>,
        %add3A_387 = arith.constant 17 : i32
        %add3A_388 = arith.addi %mul3A_378, %add3A_387 : i32
        %get3A_389 = arith.index_cast %add3A_388 : i32 to index
        %get3A_390 = tpu.vector_load %arg10[%get3A_389] {strides = array<i32>} : memref<2032xi32, #tpu.memory_space<vmem>>, vector<16xi32>,
        %get3A_391 = arith.index_cast %mul3A_378 : i32 to index
        %get3A_392 = tpu.vector_load %arg12[%get3A_391] {strides = array<i32>} : memref<2000xi32, #tpu.memory_space<vmem>>, vector<16xi32>,
        %gather3A_393 = tpu.vector_load_idx %arg6[%get3A_382] : memref<10000xf32, #tpu.memory_space<vmem>>[vector<16xi32>], vector<16xf32>,
        %gather3A_394 = tpu.vector_load_idx %arg7[%get3A_392] : memref<10000xf32, #tpu.memory_space<vmem>>[vector<16xi32>], vector<16xf32>,
        %add3A_395 = arith.addf %gather3A_393, %gather3A_394 : vector<16xf32>
        %mul3A_396 = arith.constant 2.000000e-01 : f32
        %mul3A_397 = vector.broadcast %mul3A_396 : f32 to vector<16xf32>
        %mul3A_398 = arith.mulf %mul3A_397, %add3A_395 : vector<16xf32>
        %max3A_399 = arith.maximumf %add3A_395, %mul3A_398 : vector<16xf32>
        %exp3A_400 = math.exp %max3A_399 : vector<16xf32>
        %swap3A_401 = arith.index_cast %mul3A_378 : i32 to index
        %swap3A_402 = tpu.vector_load %arg14[%swap3A_401] {strides = array<i32>} : memref<2000xf32, #tpu.memory_space<vmem>>, vector<16xf32>,
        tpu.vector_store %arg14[%swap3A_401], %exp3A_400 {strides = array<i32>} : memref<2000xf32, #tpu.memory_space<vmem>>, vector<16xf32>,
        %broadcast_in_dim3A_403 = arith.constant true
        %broadcast_in_dim3A_404 = vector.broadcast %broadcast_in_dim3A_403 : i1 to vector<16xi1>
        %masked_cumsum3A_405 = tpu.scan <sum>, %exp3A_400 masked %broadcast_in_dim3A_404 : vector<16xf32>, vector<16xi1> -> vector<16xf32>
        %ne3A_406 = arith.cmpi ne, %get3A_382, %get3A_386 : vector<16xi32>
        %or3A_407 = arith.ori %ne3A_406, %eq3A_43 : vector<16xi1>
        %ne3A_408 = arith.cmpi ne, %get3A_382, %get3A_390 : vector<16xi32>
        %or3A_409 = arith.ori %ne3A_408, %eq3A_46 : vector<16xi1>
        %sub3A_410 = arith.subf %exp3A_400, %masked_cumsum3A_405 : vector<16xf32>
        tpu.vector_store_idx %arg8[%get3A_382], %sub3A_410 masked %or3A_407 {add = true} : memref<10000xf32, #tpu.memory_space<vmem>>[vector<16xi32>], vector<16xf32>, vector<16xi1>
        tpu.vector_store_idx %arg8[%get3A_382], %masked_cumsum3A_405 masked %or3A_409 {add = true} : memref<10000xf32, #tpu.memory_space<vmem>>[vector<16xi32>], vector<16xf32>, vector<16xi1>
        %mul3A_411 = arith.constant 5 : i32
        %mul3A_412 = arith.muli %scan3A_265, %mul3A_411 : i32
        %add3A_413 = arith.constant 4 : i32
        %add3A_414 = arith.addi %mul3A_412, %add3A_413 : i32
        %mul3A_415 = arith.constant 16 : i32
        %mul3A_416 = arith.muli %add3A_414, %mul3A_415 : i32
        %add3A_417 = arith.constant 16 : i32
        %add3A_418 = arith.addi %mul3A_416, %add3A_417 : i32
        %get3A_419 = arith.index_cast %add3A_418 : i32 to index
        %get3A_420 = tpu.vector_load %arg10[%get3A_419] {strides = array<i32>} : memref<2032xi32, #tpu.memory_space<vmem>>, vector<16xi32>,
        %add3A_421 = arith.constant 15 : i32
        %add3A_422 = arith.addi %mul3A_416, %add3A_421 : i32
        %get3A_423 = arith.index_cast %add3A_422 : i32 to index
        %get3A_424 = tpu.vector_load %arg10[%get3A_423] {strides = array<i32>} : memref<2032xi32, #tpu.memory_space<vmem>>, vector<16xi32>,
        %add3A_425 = arith.constant 17 : i32
        %add3A_426 = arith.addi %mul3A_416, %add3A_425 : i32
        %get3A_427 = arith.index_cast %add3A_426 : i32 to index
        %get3A_428 = tpu.vector_load %arg10[%get3A_427] {strides = array<i32>} : memref<2032xi32, #tpu.memory_space<vmem>>, vector<16xi32>,
        %get3A_429 = arith.index_cast %mul3A_416 : i32 to index
        %get3A_430 = tpu.vector_load %arg12[%get3A_429] {strides = array<i32>} : memref<2000xi32, #tpu.memory_space<vmem>>, vector<16xi32>,
        %gather3A_431 = tpu.vector_load_idx %arg6[%get3A_420] : memref<10000xf32, #tpu.memory_space<vmem>>[vector<16xi32>], vector<16xf32>,
        %gather3A_432 = tpu.vector_load_idx %arg7[%get3A_430] : memref<10000xf32, #tpu.memory_space<vmem>>[vector<16xi32>], vector<16xf32>,
        %add3A_433 = arith.addf %gather3A_431, %gather3A_432 : vector<16xf32>
        %mul3A_434 = arith.constant 2.000000e-01 : f32
        %mul3A_435 = vector.broadcast %mul3A_434 : f32 to vector<16xf32>
        %mul3A_436 = arith.mulf %mul3A_435, %add3A_433 : vector<16xf32>
        %max3A_437 = arith.maximumf %add3A_433, %mul3A_436 : vector<16xf32>
        %exp3A_438 = math.exp %max3A_437 : vector<16xf32>
        %swap3A_439 = arith.index_cast %mul3A_416 : i32 to index
        %swap3A_440 = tpu.vector_load %arg14[%swap3A_439] {strides = array<i32>} : memref<2000xf32, #tpu.memory_space<vmem>>, vector<16xf32>,
        tpu.vector_store %arg14[%swap3A_439], %exp3A_438 {strides = array<i32>} : memref<2000xf32, #tpu.memory_space<vmem>>, vector<16xf32>,
        %broadcast_in_dim3A_441 = arith.constant true
        %broadcast_in_dim3A_442 = vector.broadcast %broadcast_in_dim3A_441 : i1 to vector<16xi1>
        %masked_cumsum3A_443 = tpu.scan <sum>, %exp3A_438 masked %broadcast_in_dim3A_442 : vector<16xf32>, vector<16xi1> -> vector<16xf32>
        %ne3A_444 = arith.cmpi ne, %get3A_420, %get3A_424 : vector<16xi32>
        %or3A_445 = arith.ori %ne3A_444, %eq3A_43 : vector<16xi1>
        %ne3A_446 = arith.cmpi ne, %get3A_420, %get3A_428 : vector<16xi32>
        %or3A_447 = arith.ori %ne3A_446, %eq3A_46 : vector<16xi1>
        %sub3A_448 = arith.subf %exp3A_438, %masked_cumsum3A_443 : vector<16xf32>
        tpu.vector_store_idx %arg8[%get3A_420], %sub3A_448 masked %or3A_445 {add = true} : memref<10000xf32, #tpu.memory_space<vmem>>[vector<16xi32>], vector<16xf32>, vector<16xi1>
        tpu.vector_store_idx %arg8[%get3A_420], %masked_cumsum3A_443 masked %or3A_447 {add = true} : memref<10000xf32, #tpu.memory_space<vmem>>[vector<16xi32>], vector<16xf32>, vector<16xi1>
      }
      %scan3A_248 = arith.constant 25 : i32
      %mul3A_249 = arith.constant 320000 : i32
      %mul3A_250 = arith.muli %add3A, %mul3A_249 : i32
      %add3A_251 = arith.addi %mul3A_250, %mul3A_32 : i32
      %mul3A_252 = arith.constant 2000 : i32
      %mul3A_253 = arith.muli %add3A_225, %mul3A_252 : i32
      %add3A_254 = arith.addi %add3A_251, %mul3A_253 : i32
      %multiple_of3A_255 = tpu.assume_multiple %add3A_254, 8 : i32
      %dma_start3A_256 = tpu.memref_slice %arg5[%multiple_of3A_255] : memref<2560000xf32, #tpu.memory_space<hbm>> -> memref<2000xf32, #tpu.memory_space<hbm>>
      %dma_start3A_257 = tpu.memref_slice %arg5[%multiple_of3A_255] : memref<2560000xf32, #tpu.memory_space<hbm>> -> memref<2000xf32, #tpu.memory_space<hbm>>
      tpu.enqueue_dma source(%arg14 : memref<2000xf32, #tpu.memory_space<vmem>>) target(%dma_start3A_257 : memref<2000xf32, #tpu.memory_space<hbm>>) target_semaphore(%arg24 : memref<!tpu.dma_semaphore, #tpu.memory_space<semaphore_mem>>)
      %add3A_258 = arith.constant 2 : i32
      %add3A_259 = arith.addi %add3A_225, %add3A_258 : i32
      %lt3A_260 = arith.constant 40 : i32
      %lt3A_261 = arith.cmpi slt, %add3A_259, %lt3A_260 : i32
      %convert_element_type3A_262 = arith.extui %lt3A_261 : i1 to i32
      %cond3A_263 = arith.constant 0 : i32
      %cond3A_264 = arith.cmpi ne, %convert_element_type3A_262, %cond3A_263 : i32
      scf.if %cond3A_264 {
        %add3A_265 = arith.constant 2 : i32
        %add3A_266 = arith.addi %add3A_225, %add3A_265 : i32
        %mul3A_267 = arith.constant 2000 : i32
        %mul3A_268 = arith.muli %add3A_266, %mul3A_267 : i32
        %add3A_269 = arith.addi %mul3A_32, %mul3A_268 : i32
        %multiple_of3A_270 = tpu.assume_multiple %add3A_269, 8 : i32
        %dma_start3A_271 = tpu.memref_slice %arg3[%multiple_of3A_270] : memref<320032xi32, #tpu.memory_space<hbm>> -> memref<2032xi32, #tpu.memory_space<hbm>>
        %dma_start3A_272 = tpu.memref_slice %arg3[%multiple_of3A_270] : memref<320032xi32, #tpu.memory_space<hbm>> -> memref<2032xi32, #tpu.memory_space<hbm>>
        tpu.enqueue_dma source(%dma_start3A_272 : memref<2032xi32, #tpu.memory_space<hbm>>) target(%arg10 : memref<2032xi32, #tpu.memory_space<vmem>>) target_semaphore(%arg20 : memref<!tpu.dma_semaphore, #tpu.memory_space<semaphore_mem>>)
        %add3A_273 = arith.constant 2 : i32
        %add3A_274 = arith.addi %add3A_225, %add3A_273 : i32
        %mul3A_275 = arith.constant 2000 : i32
        %mul3A_276 = arith.muli %add3A_274, %mul3A_275 : i32
        %add3A_277 = arith.addi %mul3A_32, %mul3A_276 : i32
        %multiple_of3A_278 = tpu.assume_multiple %add3A_277, 8 : i32
        %dma_start3A_279 = tpu.memref_slice %arg4[%multiple_of3A_278] : memref<320000xi32, #tpu.memory_space<hbm>> -> memref<2000xi32, #tpu.memory_space<hbm>>
        %dma_start3A_280 = tpu.memref_slice %arg4[%multiple_of3A_278] : memref<320000xi32, #tpu.memory_space<hbm>> -> memref<2000xi32, #tpu.memory_space<hbm>>
        tpu.enqueue_dma source(%dma_start3A_280 : memref<2000xi32, #tpu.memory_space<hbm>>) target(%arg12 : memref<2000xi32, #tpu.memory_space<vmem>>) target_semaphore(%arg22 : memref<!tpu.dma_semaphore, #tpu.memory_space<semaphore_mem>>)
      } else {
      }
    }
    %scan3A_76 = arith.constant 20 : i32
    %mul3A_77 = arith.constant 320000 : i32
    %mul3A_78 = arith.muli %add3A, %mul3A_77 : i32
    %add3A_79 = arith.addi %mul3A_78, %mul3A_32 : i32
    %add3A_80 = arith.constant 76000 : i32
    %add3A_81 = arith.addi %add3A_79, %add3A_80 : i32
    %multiple_of3A_82 = tpu.assume_multiple %add3A_81, 8 : i32
    %dma_wait3A = tpu.memref_slice %arg5[%multiple_of3A_82] : memref<2560000xf32, #tpu.memory_space<hbm>> -> memref<2000xf32, #tpu.memory_space<hbm>>
    %dma_wait3A_83 = tpu.memref_slice %arg5[%multiple_of3A_82] : memref<2560000xf32, #tpu.memory_space<hbm>> -> memref<2000xf32, #tpu.memory_space<hbm>>
    tpu.wait_dma2 semaphore(%arg23 : memref<!tpu.dma_semaphore, #tpu.memory_space<semaphore_mem>>) src(%arg13 : memref<2000xf32, #tpu.memory_space<vmem>>) dst(%dma_wait3A_83 : memref<2000xf32, #tpu.memory_space<hbm>>)
    %mul3A_84 = arith.constant 320000 : i32
    %mul3A_85 = arith.muli %add3A, %mul3A_84 : i32
    %add3A_86 = arith.addi %mul3A_85, %mul3A_32 : i32
    %add3A_87 = arith.constant 78000 : i32
    %add3A_88 = arith.addi %add3A_86, %add3A_87 : i32
    %multiple_of3A_89 = tpu.assume_multiple %add3A_88, 8 : i32
    %dma_wait3A_90 = tpu.memref_slice %arg5[%multiple_of3A_89] : memref<2560000xf32, #tpu.memory_space<hbm>> -> memref<2000xf32, #tpu.memory_space<hbm>>
    %dma_wait3A_91 = tpu.memref_slice %arg5[%multiple_of3A_89] : memref<2560000xf32, #tpu.memory_space<hbm>> -> memref<2000xf32, #tpu.memory_space<hbm>>
    tpu.wait_dma2 semaphore(%arg24 : memref<!tpu.dma_semaphore, #tpu.memory_space<semaphore_mem>>) src(%arg14 : memref<2000xf32, #tpu.memory_space<vmem>>) dst(%dma_wait3A_91 : memref<2000xf32, #tpu.memory_space<hbm>>)
    %mul3A_92 = arith.constant 10000 : i32
    %mul3A_93 = arith.muli %arg1, %mul3A_92 : i32
    %multiple_of3A_94 = tpu.assume_multiple %mul3A_93, 8 : i32
    "tpu.region"() ({
      %run_scoped3A = tpu.sem_alloc : memref<!tpu.dma_semaphore, #tpu.memory_space<semaphore_mem>>
      %dma_start3A_181 = tpu.memref_slice %arg18[%multiple_of3A_94] : memref<160000xf32, #tpu.memory_space<vmem_shared>> -> memref<10000xf32, #tpu.memory_space<vmem_shared>>
      %dma_start3A_182 = tpu.memref_slice %arg18[%multiple_of3A_94] : memref<160000xf32, #tpu.memory_space<vmem_shared>> -> memref<10000xf32, #tpu.memory_space<vmem_shared>>
      tpu.enqueue_dma source(%arg8 : memref<10000xf32, #tpu.memory_space<vmem>>) target(%dma_start3A_182 : memref<10000xf32, #tpu.memory_space<vmem_shared>>) target_semaphore(%run_scoped3A : memref<!tpu.dma_semaphore, #tpu.memory_space<semaphore_mem>>)
      %dma_wait3A_183 = tpu.memref_slice %arg18[%multiple_of3A_94] : memref<160000xf32, #tpu.memory_space<vmem_shared>> -> memref<10000xf32, #tpu.memory_space<vmem_shared>>
      %dma_wait3A_184 = tpu.memref_slice %arg18[%multiple_of3A_94] : memref<160000xf32, #tpu.memory_space<vmem_shared>> -> memref<10000xf32, #tpu.memory_space<vmem_shared>>
      tpu.wait_dma2 semaphore(%run_scoped3A : memref<!tpu.dma_semaphore, #tpu.memory_space<semaphore_mem>>) src(%arg8 : memref<10000xf32, #tpu.memory_space<vmem>>) dst(%dma_wait3A_184 : memref<10000xf32, #tpu.memory_space<vmem_shared>>)
      tpu.yield
    }) : () -> ()
    %barrier3A = arith.constant 0 : index
    tpu.barrier barrier_id(%barrier3A)
    %jit3A_95 = arith.constant 4 : i32
    %div3A_96 = arith.divsi %arg1, %jit3A_95 : i32
    %sign3A_97 = arith.constant 0 : i32
    %sign3A_98 = arith.cmpi sgt, %arg1, %sign3A_97 : i32
    %sign3A_99 = arith.extui %sign3A_98 : i1 to i32
    %sign3A_100 = arith.constant 0 : i32
    %sign3A_101 = arith.cmpi slt, %arg1, %sign3A_100 : i32
    %sign3A_102 = arith.extui %sign3A_101 : i1 to i32
    %sign3A_103 = arith.subi %sign3A_99, %sign3A_102 : i32
    %sign3A_104 = arith.constant 0 : i32
    %sign3A_105 = arith.cmpi sgt, %jit3A_95, %sign3A_104 : i32
    %sign3A_106 = arith.extui %sign3A_105 : i1 to i32
    %sign3A_107 = arith.constant 0 : i32
    %sign3A_108 = arith.cmpi slt, %jit3A_95, %sign3A_107 : i32
    %sign3A_109 = arith.extui %sign3A_108 : i1 to i32
    %sign3A_110 = arith.subi %sign3A_106, %sign3A_109 : i32
    %ne3A_111 = arith.cmpi ne, %sign3A_103, %sign3A_110 : i32
    %rem3A_112 = arith.remsi %arg1, %jit3A_95 : i32
    %ne3A_113 = arith.constant 0 : i32
    %ne3A_114 = arith.cmpi ne, %rem3A_112, %ne3A_113 : i32
    %and3A_115 = arith.andi %ne3A_111, %ne3A_114 : i1
    %sub3A_116 = arith.constant 1 : i32
    %sub3A_117 = arith.subi %div3A_96, %sub3A_116 : i32
    %select_n3A_118 = arith.select %and3A_115, %sub3A_117, %div3A_96 : i32
    %mul3A_119 = arith.constant 4 : i32
    %mul3A_120 = arith.muli %select_n3A_118, %mul3A_119 : i32
    %scan3A_121 = arith.constant 0 : i32
    %scan3A_122 = arith.constant 0 : i32
    %scan3A_123 = arith.constant 3 : i32
    %scan3A_124 = arith.addi %scan3A_122, %scan3A_123 : i32
    %scan3A_125 = arith.constant 1 : i32
    scf.for %scan3A_181 = %scan3A_122 to %scan3A_124 step %scan3A_125  : i32 {
      %add3A_182 = arith.constant 1 : i32
      %add3A_183 = arith.addi %select_n3A_30, %add3A_182 : i32
      %add3A_184 = arith.addi %add3A_183, %scan3A_181 : i32
      %rem3A_185 = arith.constant 4 : i32
      %rem3A_186 = arith.remsi %add3A_184, %rem3A_185 : i32
      %add3A_187 = arith.addi %mul3A_120, %rem3A_186 : i32
      %scan3A_188 = arith.constant 0 : i32
      %scan3A_189 = arith.constant 0 : i32
      %scan3A_190 = arith.constant 5 : i32
      %scan3A_191 = arith.addi %scan3A_189, %scan3A_190 : i32
      %scan3A_192 = arith.constant 1 : i32
      scf.for %scan3A_194 = %scan3A_189 to %scan3A_191 step %scan3A_192  : i32 {
        %mul3A_195 = arith.constant 2000 : i32
        %mul3A_196 = arith.muli %scan3A_194, %mul3A_195 : i32
        %mul3A_197 = arith.constant 10000 : i32
        %mul3A_198 = arith.muli %add3A_187, %mul3A_197 : i32
        %add3A_199 = arith.addi %mul3A_198, %mul3A_196 : i32
        %multiple_of3A_200 = tpu.assume_multiple %add3A_199, 8 : i32
        "tpu.region"() ({
          %run_scoped3A = tpu.sem_alloc : memref<!tpu.dma_semaphore, #tpu.memory_space<semaphore_mem>>
          %dma_start3A_207 = tpu.memref_slice %arg18[%multiple_of3A_200] : memref<160000xf32, #tpu.memory_space<vmem_shared>> -> memref<2000xf32, #tpu.memory_space<vmem_shared>>
          %dma_start3A_208 = tpu.memref_slice %arg18[%multiple_of3A_200] : memref<160000xf32, #tpu.memory_space<vmem_shared>> -> memref<2000xf32, #tpu.memory_space<vmem_shared>>
          tpu.enqueue_dma source(%dma_start3A_208 : memref<2000xf32, #tpu.memory_space<vmem_shared>>) target(%arg17 : memref<2000xf32, #tpu.memory_space<vmem>>) target_semaphore(%run_scoped3A : memref<!tpu.dma_semaphore, #tpu.memory_space<semaphore_mem>>)
          %dma_wait3A_209 = tpu.memref_slice %arg18[%multiple_of3A_200] : memref<160000xf32, #tpu.memory_space<vmem_shared>> -> memref<2000xf32, #tpu.memory_space<vmem_shared>>
          %dma_wait3A_210 = tpu.memref_slice %arg18[%multiple_of3A_200] : memref<160000xf32, #tpu.memory_space<vmem_shared>> -> memref<2000xf32, #tpu.memory_space<vmem_shared>>
          tpu.wait_dma2 semaphore(%run_scoped3A : memref<!tpu.dma_semaphore, #tpu.memory_space<semaphore_mem>>) src(%dma_wait3A_210 : memref<2000xf32, #tpu.memory_space<vmem_shared>>) dst(%arg17 : memref<2000xf32, #tpu.memory_space<vmem>>)
          tpu.yield
        }) : () -> ()
        %scan3A_201 = arith.constant 0 : i32
        %scan3A_202 = arith.constant 0 : i32
        %scan3A_203 = arith.constant 125 : i32
        %scan3A_204 = arith.addi %scan3A_202, %scan3A_203 : i32
        %scan3A_205 = arith.constant 1 : i32
        scf.for %scan3A_207 = %scan3A_202 to %scan3A_204 step %scan3A_205  : i32 {
          %mul3A_208 = arith.constant 16 : i32
          %mul3A_209 = arith.muli %scan3A_207, %mul3A_208 : i32
          %add3A_210 = arith.addi %mul3A_196, %mul3A_209 : i32
          %get3A = arith.index_cast %add3A_210 : i32 to index
          %get3A_211 = tpu.vector_load %arg8[%get3A] {strides = array<i32>} : memref<10000xf32, #tpu.memory_space<vmem>>, vector<16xf32>,
          %mul3A_212 = arith.constant 16 : i32
          %mul3A_213 = arith.muli %scan3A_207, %mul3A_212 : i32
          %get3A_214 = arith.index_cast %mul3A_213 : i32 to index
          %get3A_215 = tpu.vector_load %arg17[%get3A_214] {strides = array<i32>} : memref<2000xf32, #tpu.memory_space<vmem>>, vector<16xf32>,
          %add3A_216 = arith.addf %get3A_211, %get3A_215 : vector<16xf32>
          %swap3A = arith.index_cast %add3A_210 : i32 to index
          %swap3A_217 = tpu.vector_load %arg8[%swap3A] {strides = array<i32>} : memref<10000xf32, #tpu.memory_space<vmem>>, vector<16xf32>,
          tpu.vector_store %arg8[%swap3A], %add3A_216 {strides = array<i32>} : memref<10000xf32, #tpu.memory_space<vmem>>, vector<16xf32>,
        }
        %scan3A_206 = arith.constant 125 : i32
      }
      %scan3A_193 = arith.constant 5 : i32
    }
    %scan3A_126 = arith.constant 3 : i32
    %scan3A_127 = arith.constant 0 : i32
    %scan3A_128 = arith.constant 0 : i32
    %scan3A_129 = arith.constant 625 : i32
    %scan3A_130 = arith.addi %scan3A_128, %scan3A_129 : i32
    %scan3A_131 = arith.constant 1 : i32
    scf.for %scan3A_181 = %scan3A_128 to %scan3A_130 step %scan3A_131  : i32 {
      %mul3A_182 = arith.constant 16 : i32
      %mul3A_183 = arith.muli %scan3A_181, %mul3A_182 : i32
      %get3A = arith.index_cast %mul3A_183 : i32 to index
      %get3A_184 = tpu.vector_load %arg8[%get3A] {strides = array<i32>} : memref<10000xf32, #tpu.memory_space<vmem>>, vector<16xf32>,
      %add3A_185 = arith.constant 9.99999996E-13 : f32
      %add3A_186 = vector.broadcast %add3A_185 : f32 to vector<16xf32>
      %add3A_187 = arith.addf %get3A_184, %add3A_186 : vector<16xf32>
      %div3A_188 = arith.constant 1.000000e+00 : f32
      %div3A_189 = vector.broadcast %div3A_188 : f32 to vector<16xf32>
      %div3A_190 = arith.divf %div3A_189, %add3A_187 : vector<16xf32>
      %swap3A = arith.index_cast %mul3A_183 : i32 to index
      %swap3A_191 = tpu.vector_load %arg8[%swap3A] {strides = array<i32>} : memref<10000xf32, #tpu.memory_space<vmem>>, vector<16xf32>,
      tpu.vector_store %arg8[%swap3A], %div3A_190 {strides = array<i32>} : memref<10000xf32, #tpu.memory_space<vmem>>, vector<16xf32>,
    }
    %scan3A_132 = arith.constant 625 : i32
    %add3A_133 = arith.constant 0 : i32
    %add3A_134 = arith.addi %mul3A_32, %add3A_133 : i32
    %multiple_of3A_135 = tpu.assume_multiple %add3A_134, 8 : i32
    %dma_start3A_136 = tpu.memref_slice %arg3[%multiple_of3A_135] : memref<320032xi32, #tpu.memory_space<hbm>> -> memref<2032xi32, #tpu.memory_space<hbm>>
    %dma_start3A_137 = tpu.memref_slice %arg3[%multiple_of3A_135] : memref<320032xi32, #tpu.memory_space<hbm>> -> memref<2032xi32, #tpu.memory_space<hbm>>
    tpu.enqueue_dma source(%dma_start3A_137 : memref<2032xi32, #tpu.memory_space<hbm>>) target(%arg9 : memref<2032xi32, #tpu.memory_space<vmem>>) target_semaphore(%arg19 : memref<!tpu.dma_semaphore, #tpu.memory_space<semaphore_mem>>)
    %mul3A_138 = arith.constant 320000 : i32
    %mul3A_139 = arith.muli %add3A, %mul3A_138 : i32
    %add3A_140 = arith.addi %mul3A_139, %mul3A_32 : i32
    %add3A_141 = arith.constant 0 : i32
    %add3A_142 = arith.addi %add3A_140, %add3A_141 : i32
    %multiple_of3A_143 = tpu.assume_multiple %add3A_142, 8 : i32
    %dma_start3A_144 = tpu.memref_slice %arg5[%multiple_of3A_143] : memref<2560000xf32, #tpu.memory_space<hbm>> -> memref<2000xf32, #tpu.memory_space<hbm>>
    %dma_start3A_145 = tpu.memref_slice %arg5[%multiple_of3A_143] : memref<2560000xf32, #tpu.memory_space<hbm>> -> memref<2000xf32, #tpu.memory_space<hbm>>
    tpu.enqueue_dma source(%dma_start3A_145 : memref<2000xf32, #tpu.memory_space<hbm>>) target(%arg15 : memref<2000xf32, #tpu.memory_space<vmem>>) target_semaphore(%arg21 : memref<!tpu.dma_semaphore, #tpu.memory_space<semaphore_mem>>)
    %add3A_146 = arith.constant 2000 : i32
    %add3A_147 = arith.addi %mul3A_32, %add3A_146 : i32
    %multiple_of3A_148 = tpu.assume_multiple %add3A_147, 8 : i32
    %dma_start3A_149 = tpu.memref_slice %arg3[%multiple_of3A_148] : memref<320032xi32, #tpu.memory_space<hbm>> -> memref<2032xi32, #tpu.memory_space<hbm>>
    %dma_start3A_150 = tpu.memref_slice %arg3[%multiple_of3A_148] : memref<320032xi32, #tpu.memory_space<hbm>> -> memref<2032xi32, #tpu.memory_space<hbm>>
    tpu.enqueue_dma source(%dma_start3A_150 : memref<2032xi32, #tpu.memory_space<hbm>>) target(%arg10 : memref<2032xi32, #tpu.memory_space<vmem>>) target_semaphore(%arg20 : memref<!tpu.dma_semaphore, #tpu.memory_space<semaphore_mem>>)
    %mul3A_151 = arith.constant 320000 : i32
    %mul3A_152 = arith.muli %add3A, %mul3A_151 : i32
    %add3A_153 = arith.addi %mul3A_152, %mul3A_32 : i32
    %add3A_154 = arith.constant 2000 : i32
    %add3A_155 = arith.addi %add3A_153, %add3A_154 : i32
    %multiple_of3A_156 = tpu.assume_multiple %add3A_155, 8 : i32
    %dma_start3A_157 = tpu.memref_slice %arg5[%multiple_of3A_156] : memref<2560000xf32, #tpu.memory_space<hbm>> -> memref<2000xf32, #tpu.memory_space<hbm>>
    %dma_start3A_158 = tpu.memref_slice %arg5[%multiple_of3A_156] : memref<2560000xf32, #tpu.memory_space<hbm>> -> memref<2000xf32, #tpu.memory_space<hbm>>
    tpu.enqueue_dma source(%dma_start3A_158 : memref<2000xf32, #tpu.memory_space<hbm>>) target(%arg16 : memref<2000xf32, #tpu.memory_space<vmem>>) target_semaphore(%arg22 : memref<!tpu.dma_semaphore, #tpu.memory_space<semaphore_mem>>)
    %scan3A_159 = arith.constant 0 : i32
    %scan3A_160 = arith.constant 0 : i32
    %scan3A_161 = arith.constant 20 : i32
    %scan3A_162 = arith.addi %scan3A_160, %scan3A_161 : i32
    %scan3A_163 = arith.constant 1 : i32
    scf.for %scan3A_181 = %scan3A_160 to %scan3A_162 step %scan3A_163  : i32 {
      %mul3A_182 = arith.constant 2 : i32
      %mul3A_183 = arith.muli %scan3A_181, %mul3A_182 : i32
      %add3A_184 = arith.constant 0 : i32
      %add3A_185 = arith.addi %mul3A_183, %add3A_184 : i32
      %mul3A_186 = arith.constant 2000 : i32
      %mul3A_187 = arith.muli %add3A_185, %mul3A_186 : i32
      %add3A_188 = arith.addi %mul3A_32, %mul3A_187 : i32
      %multiple_of3A_189 = tpu.assume_multiple %add3A_188, 8 : i32
      %dma_wait3A_190 = tpu.memref_slice %arg3[%multiple_of3A_189] : memref<320032xi32, #tpu.memory_space<hbm>> -> memref<2032xi32, #tpu.memory_space<hbm>>
      %dma_wait3A_191 = tpu.memref_slice %arg3[%multiple_of3A_189] : memref<320032xi32, #tpu.memory_space<hbm>> -> memref<2032xi32, #tpu.memory_space<hbm>>
      tpu.wait_dma2 semaphore(%arg19 : memref<!tpu.dma_semaphore, #tpu.memory_space<semaphore_mem>>) src(%dma_wait3A_191 : memref<2032xi32, #tpu.memory_space<hbm>>) dst(%arg9 : memref<2032xi32, #tpu.memory_space<vmem>>)
      %mul3A_192 = arith.constant 320000 : i32
      %mul3A_193 = arith.muli %add3A, %mul3A_192 : i32
      %add3A_194 = arith.addi %mul3A_193, %mul3A_32 : i32
      %mul3A_195 = arith.constant 2000 : i32
      %mul3A_196 = arith.muli %add3A_185, %mul3A_195 : i32
      %add3A_197 = arith.addi %add3A_194, %mul3A_196 : i32
      %multiple_of3A_198 = tpu.assume_multiple %add3A_197, 8 : i32
      %dma_wait3A_199 = tpu.memref_slice %arg5[%multiple_of3A_198] : memref<2560000xf32, #tpu.memory_space<hbm>> -> memref<2000xf32, #tpu.memory_space<hbm>>
      %dma_wait3A_200 = tpu.memref_slice %arg5[%multiple_of3A_198] : memref<2560000xf32, #tpu.memory_space<hbm>> -> memref<2000xf32, #tpu.memory_space<hbm>>
      tpu.wait_dma2 semaphore(%arg21 : memref<!tpu.dma_semaphore, #tpu.memory_space<semaphore_mem>>) src(%dma_wait3A_200 : memref<2000xf32, #tpu.memory_space<hbm>>) dst(%arg15 : memref<2000xf32, #tpu.memory_space<vmem>>)
      %gt3A = arith.constant 0 : i32
      %gt3A_201 = arith.cmpi sgt, %scan3A_181, %gt3A : i32
      %convert_element_type3A = arith.extui %gt3A_201 : i1 to i32
      %cond3A = arith.constant 0 : i32
      %cond3A_202 = arith.cmpi ne, %convert_element_type3A, %cond3A : i32
      scf.if %cond3A_202 {
        %sub3A_271 = arith.constant 2 : i32
        %sub3A_272 = arith.subi %add3A_185, %sub3A_271 : i32
        %mul3A_273 = arith.constant 320000 : i32
        %mul3A_274 = arith.muli %add3A, %mul3A_273 : i32
        %add3A_275 = arith.addi %mul3A_274, %mul3A_32 : i32
        %mul3A_276 = arith.constant 2000 : i32
        %mul3A_277 = arith.muli %sub3A_272, %mul3A_276 : i32
        %add3A_278 = arith.addi %add3A_275, %mul3A_277 : i32
        %multiple_of3A_279 = tpu.assume_multiple %add3A_278, 8 : i32
        %dma_wait3A_280 = tpu.memref_slice %arg5[%multiple_of3A_279] : memref<2560000xf32, #tpu.memory_space<hbm>> -> memref<2000xf32, #tpu.memory_space<hbm>>
        %dma_wait3A_281 = tpu.memref_slice %arg5[%multiple_of3A_279] : memref<2560000xf32, #tpu.memory_space<hbm>> -> memref<2000xf32, #tpu.memory_space<hbm>>
        tpu.wait_dma2 semaphore(%arg23 : memref<!tpu.dma_semaphore, #tpu.memory_space<semaphore_mem>>) src(%arg13 : memref<2000xf32, #tpu.memory_space<vmem>>) dst(%dma_wait3A_281 : memref<2000xf32, #tpu.memory_space<hbm>>)
      } else {
      }
      %scan3A_203 = arith.constant 0 : i32
      %scan3A_204 = arith.constant 0 : i32
      %scan3A_205 = arith.constant 25 : i32
      %scan3A_206 = arith.addi %scan3A_204, %scan3A_205 : i32
      %scan3A_207 = arith.constant 1 : i32
      scf.for %scan3A_271 = %scan3A_204 to %scan3A_206 step %scan3A_207  : i32 {
        %mul3A_272 = arith.constant 5 : i32
        %mul3A_273 = arith.muli %scan3A_271, %mul3A_272 : i32
        %add3A_274 = arith.constant 0 : i32
        %add3A_275 = arith.addi %mul3A_273, %add3A_274 : i32
        %mul3A_276 = arith.constant 16 : i32
        %mul3A_277 = arith.muli %add3A_275, %mul3A_276 : i32
        %add3A_278 = arith.constant 16 : i32
        %add3A_279 = arith.addi %mul3A_277, %add3A_278 : i32
        %get3A = arith.index_cast %add3A_279 : i32 to index
        %get3A_280 = tpu.vector_load %arg9[%get3A] {strides = array<i32>} : memref<2032xi32, #tpu.memory_space<vmem>>, vector<16xi32>,
        %gather3A = tpu.vector_load_idx %arg8[%get3A_280] : memref<10000xf32, #tpu.memory_space<vmem>>[vector<16xi32>], vector<16xf32>,
        %get3A_281 = arith.index_cast %mul3A_277 : i32 to index
        %get3A_282 = tpu.vector_load %arg15[%get3A_281] {strides = array<i32>} : memref<2000xf32, #tpu.memory_space<vmem>>, vector<16xf32>,
        %mul3A_283 = arith.mulf %get3A_282, %gather3A : vector<16xf32>
        %swap3A = arith.index_cast %mul3A_277 : i32 to index
        %swap3A_284 = tpu.vector_load %arg13[%swap3A] {strides = array<i32>} : memref<2000xf32, #tpu.memory_space<vmem>>, vector<16xf32>,
        tpu.vector_store %arg13[%swap3A], %mul3A_283 {strides = array<i32>} : memref<2000xf32, #tpu.memory_space<vmem>>, vector<16xf32>,
        %mul3A_285 = arith.constant 5 : i32
        %mul3A_286 = arith.muli %scan3A_271, %mul3A_285 : i32
        %add3A_287 = arith.constant 1 : i32
        %add3A_288 = arith.addi %mul3A_286, %add3A_287 : i32
        %mul3A_289 = arith.constant 16 : i32
        %mul3A_290 = arith.muli %add3A_288, %mul3A_289 : i32
        %add3A_291 = arith.constant 16 : i32
        %add3A_292 = arith.addi %mul3A_290, %add3A_291 : i32
        %get3A_293 = arith.index_cast %add3A_292 : i32 to index
        %get3A_294 = tpu.vector_load %arg9[%get3A_293] {strides = array<i32>} : memref<2032xi32, #tpu.memory_space<vmem>>, vector<16xi32>,
        %gather3A_295 = tpu.vector_load_idx %arg8[%get3A_294] : memref<10000xf32, #tpu.memory_space<vmem>>[vector<16xi32>], vector<16xf32>,
        %get3A_296 = arith.index_cast %mul3A_290 : i32 to index
        %get3A_297 = tpu.vector_load %arg15[%get3A_296] {strides = array<i32>} : memref<2000xf32, #tpu.memory_space<vmem>>, vector<16xf32>,
        %mul3A_298 = arith.mulf %get3A_297, %gather3A_295 : vector<16xf32>
        %swap3A_299 = arith.index_cast %mul3A_290 : i32 to index
        %swap3A_300 = tpu.vector_load %arg13[%swap3A_299] {strides = array<i32>} : memref<2000xf32, #tpu.memory_space<vmem>>, vector<16xf32>,
        tpu.vector_store %arg13[%swap3A_299], %mul3A_298 {strides = array<i32>} : memref<2000xf32, #tpu.memory_space<vmem>>, vector<16xf32>,
        %mul3A_301 = arith.constant 5 : i32
        %mul3A_302 = arith.muli %scan3A_271, %mul3A_301 : i32
        %add3A_303 = arith.constant 2 : i32
        %add3A_304 = arith.addi %mul3A_302, %add3A_303 : i32
        %mul3A_305 = arith.constant 16 : i32
        %mul3A_306 = arith.muli %add3A_304, %mul3A_305 : i32
        %add3A_307 = arith.constant 16 : i32
        %add3A_308 = arith.addi %mul3A_306, %add3A_307 : i32
        %get3A_309 = arith.index_cast %add3A_308 : i32 to index
        %get3A_310 = tpu.vector_load %arg9[%get3A_309] {strides = array<i32>} : memref<2032xi32, #tpu.memory_space<vmem>>, vector<16xi32>,
        %gather3A_311 = tpu.vector_load_idx %arg8[%get3A_310] : memref<10000xf32, #tpu.memory_space<vmem>>[vector<16xi32>], vector<16xf32>,
        %get3A_312 = arith.index_cast %mul3A_306 : i32 to index
        %get3A_313 = tpu.vector_load %arg15[%get3A_312] {strides = array<i32>} : memref<2000xf32, #tpu.memory_space<vmem>>, vector<16xf32>,
        %mul3A_314 = arith.mulf %get3A_313, %gather3A_311 : vector<16xf32>
        %swap3A_315 = arith.index_cast %mul3A_306 : i32 to index
        %swap3A_316 = tpu.vector_load %arg13[%swap3A_315] {strides = array<i32>} : memref<2000xf32, #tpu.memory_space<vmem>>, vector<16xf32>,
        tpu.vector_store %arg13[%swap3A_315], %mul3A_314 {strides = array<i32>} : memref<2000xf32, #tpu.memory_space<vmem>>, vector<16xf32>,
        %mul3A_317 = arith.constant 5 : i32
        %mul3A_318 = arith.muli %scan3A_271, %mul3A_317 : i32
        %add3A_319 = arith.constant 3 : i32
        %add3A_320 = arith.addi %mul3A_318, %add3A_319 : i32
        %mul3A_321 = arith.constant 16 : i32
        %mul3A_322 = arith.muli %add3A_320, %mul3A_321 : i32
        %add3A_323 = arith.constant 16 : i32
        %add3A_324 = arith.addi %mul3A_322, %add3A_323 : i32
        %get3A_325 = arith.index_cast %add3A_324 : i32 to index
        %get3A_326 = tpu.vector_load %arg9[%get3A_325] {strides = array<i32>} : memref<2032xi32, #tpu.memory_space<vmem>>, vector<16xi32>,
        %gather3A_327 = tpu.vector_load_idx %arg8[%get3A_326] : memref<10000xf32, #tpu.memory_space<vmem>>[vector<16xi32>], vector<16xf32>,
        %get3A_328 = arith.index_cast %mul3A_322 : i32 to index
        %get3A_329 = tpu.vector_load %arg15[%get3A_328] {strides = array<i32>} : memref<2000xf32, #tpu.memory_space<vmem>>, vector<16xf32>,
        %mul3A_330 = arith.mulf %get3A_329, %gather3A_327 : vector<16xf32>
        %swap3A_331 = arith.index_cast %mul3A_322 : i32 to index
        %swap3A_332 = tpu.vector_load %arg13[%swap3A_331] {strides = array<i32>} : memref<2000xf32, #tpu.memory_space<vmem>>, vector<16xf32>,
        tpu.vector_store %arg13[%swap3A_331], %mul3A_330 {strides = array<i32>} : memref<2000xf32, #tpu.memory_space<vmem>>, vector<16xf32>,
        %mul3A_333 = arith.constant 5 : i32
        %mul3A_334 = arith.muli %scan3A_271, %mul3A_333 : i32
        %add3A_335 = arith.constant 4 : i32
        %add3A_336 = arith.addi %mul3A_334, %add3A_335 : i32
        %mul3A_337 = arith.constant 16 : i32
        %mul3A_338 = arith.muli %add3A_336, %mul3A_337 : i32
        %add3A_339 = arith.constant 16 : i32
        %add3A_340 = arith.addi %mul3A_338, %add3A_339 : i32
        %get3A_341 = arith.index_cast %add3A_340 : i32 to index
        %get3A_342 = tpu.vector_load %arg9[%get3A_341] {strides = array<i32>} : memref<2032xi32, #tpu.memory_space<vmem>>, vector<16xi32>,
        %gather3A_343 = tpu.vector_load_idx %arg8[%get3A_342] : memref<10000xf32, #tpu.memory_space<vmem>>[vector<16xi32>], vector<16xf32>,
        %get3A_344 = arith.index_cast %mul3A_338 : i32 to index
        %get3A_345 = tpu.vector_load %arg15[%get3A_344] {strides = array<i32>} : memref<2000xf32, #tpu.memory_space<vmem>>, vector<16xf32>,
        %mul3A_346 = arith.mulf %get3A_345, %gather3A_343 : vector<16xf32>
        %swap3A_347 = arith.index_cast %mul3A_338 : i32 to index
        %swap3A_348 = tpu.vector_load %arg13[%swap3A_347] {strides = array<i32>} : memref<2000xf32, #tpu.memory_space<vmem>>, vector<16xf32>,
        tpu.vector_store %arg13[%swap3A_347], %mul3A_346 {strides = array<i32>} : memref<2000xf32, #tpu.memory_space<vmem>>, vector<16xf32>,
      }
      %scan3A_208 = arith.constant 25 : i32
      %mul3A_209 = arith.constant 320000 : i32
      %mul3A_210 = arith.muli %add3A, %mul3A_209 : i32
      %add3A_211 = arith.addi %mul3A_210, %mul3A_32 : i32
      %mul3A_212 = arith.constant 2000 : i32
      %mul3A_213 = arith.muli %add3A_185, %mul3A_212 : i32
      %add3A_214 = arith.addi %add3A_211, %mul3A_213 : i32
      %multiple_of3A_215 = tpu.assume_multiple %add3A_214, 8 : i32
      %dma_start3A_216 = tpu.memref_slice %arg5[%multiple_of3A_215] : memref<2560000xf32, #tpu.memory_space<hbm>> -> memref<2000xf32, #tpu.memory_space<hbm>>
      %dma_start3A_217 = tpu.memref_slice %arg5[%multiple_of3A_215] : memref<2560000xf32, #tpu.memory_space<hbm>> -> memref<2000xf32, #tpu.memory_space<hbm>>
      tpu.enqueue_dma source(%arg13 : memref<2000xf32, #tpu.memory_space<vmem>>) target(%dma_start3A_217 : memref<2000xf32, #tpu.memory_space<hbm>>) target_semaphore(%arg23 : memref<!tpu.dma_semaphore, #tpu.memory_space<semaphore_mem>>)
      %add3A_218 = arith.constant 2 : i32
      %add3A_219 = arith.addi %add3A_185, %add3A_218 : i32
      %lt3A_220 = arith.constant 40 : i32
      %lt3A_221 = arith.cmpi slt, %add3A_219, %lt3A_220 : i32
      %convert_element_type3A_222 = arith.extui %lt3A_221 : i1 to i32
      %cond3A_223 = arith.constant 0 : i32
      %cond3A_224 = arith.cmpi ne, %convert_element_type3A_222, %cond3A_223 : i32
      scf.if %cond3A_224 {
        %add3A_271 = arith.constant 2 : i32
        %add3A_272 = arith.addi %add3A_185, %add3A_271 : i32
        %mul3A_273 = arith.constant 2000 : i32
        %mul3A_274 = arith.muli %add3A_272, %mul3A_273 : i32
        %add3A_275 = arith.addi %mul3A_32, %mul3A_274 : i32
        %multiple_of3A_276 = tpu.assume_multiple %add3A_275, 8 : i32
        %dma_start3A_277 = tpu.memref_slice %arg3[%multiple_of3A_276] : memref<320032xi32, #tpu.memory_space<hbm>> -> memref<2032xi32, #tpu.memory_space<hbm>>
        %dma_start3A_278 = tpu.memref_slice %arg3[%multiple_of3A_276] : memref<320032xi32, #tpu.memory_space<hbm>> -> memref<2032xi32, #tpu.memory_space<hbm>>
        tpu.enqueue_dma source(%dma_start3A_278 : memref<2032xi32, #tpu.memory_space<hbm>>) target(%arg9 : memref<2032xi32, #tpu.memory_space<vmem>>) target_semaphore(%arg19 : memref<!tpu.dma_semaphore, #tpu.memory_space<semaphore_mem>>)
        %add3A_279 = arith.constant 2 : i32
        %add3A_280 = arith.addi %add3A_185, %add3A_279 : i32
        %mul3A_281 = arith.constant 320000 : i32
        %mul3A_282 = arith.muli %add3A, %mul3A_281 : i32
        %add3A_283 = arith.addi %mul3A_282, %mul3A_32 : i32
        %mul3A_284 = arith.constant 2000 : i32
        %mul3A_285 = arith.muli %add3A_280, %mul3A_284 : i32
        %add3A_286 = arith.addi %add3A_283, %mul3A_285 : i32
        %multiple_of3A_287 = tpu.assume_multiple %add3A_286, 8 : i32
        %dma_start3A_288 = tpu.memref_slice %arg5[%multiple_of3A_287] : memref<2560000xf32, #tpu.memory_space<hbm>> -> memref<2000xf32, #tpu.memory_space<hbm>>
        %dma_start3A_289 = tpu.memref_slice %arg5[%multiple_of3A_287] : memref<2560000xf32, #tpu.memory_space<hbm>> -> memref<2000xf32, #tpu.memory_space<hbm>>
        tpu.enqueue_dma source(%dma_start3A_289 : memref<2000xf32, #tpu.memory_space<hbm>>) target(%arg15 : memref<2000xf32, #tpu.memory_space<vmem>>) target_semaphore(%arg21 : memref<!tpu.dma_semaphore, #tpu.memory_space<semaphore_mem>>)
      } else {
      }
      %mul3A_225 = arith.constant 2 : i32
      %mul3A_226 = arith.muli %scan3A_181, %mul3A_225 : i32
      %add3A_227 = arith.constant 1 : i32
      %add3A_228 = arith.addi %mul3A_226, %add3A_227 : i32
      %mul3A_229 = arith.constant 2000 : i32
      %mul3A_230 = arith.muli %add3A_228, %mul3A_229 : i32
      %add3A_231 = arith.addi %mul3A_32, %mul3A_230 : i32
      %multiple_of3A_232 = tpu.assume_multiple %add3A_231, 8 : i32
      %dma_wait3A_233 = tpu.memref_slice %arg3[%multiple_of3A_232] : memref<320032xi32, #tpu.memory_space<hbm>> -> memref<2032xi32, #tpu.memory_space<hbm>>
      %dma_wait3A_234 = tpu.memref_slice %arg3[%multiple_of3A_232] : memref<320032xi32, #tpu.memory_space<hbm>> -> memref<2032xi32, #tpu.memory_space<hbm>>
      tpu.wait_dma2 semaphore(%arg20 : memref<!tpu.dma_semaphore, #tpu.memory_space<semaphore_mem>>) src(%dma_wait3A_234 : memref<2032xi32, #tpu.memory_space<hbm>>) dst(%arg10 : memref<2032xi32, #tpu.memory_space<vmem>>)
      %mul3A_235 = arith.constant 320000 : i32
      %mul3A_236 = arith.muli %add3A, %mul3A_235 : i32
      %add3A_237 = arith.addi %mul3A_236, %mul3A_32 : i32
      %mul3A_238 = arith.constant 2000 : i32
      %mul3A_239 = arith.muli %add3A_228, %mul3A_238 : i32
      %add3A_240 = arith.addi %add3A_237, %mul3A_239 : i32
      %multiple_of3A_241 = tpu.assume_multiple %add3A_240, 8 : i32
      %dma_wait3A_242 = tpu.memref_slice %arg5[%multiple_of3A_241] : memref<2560000xf32, #tpu.memory_space<hbm>> -> memref<2000xf32, #tpu.memory_space<hbm>>
      %dma_wait3A_243 = tpu.memref_slice %arg5[%multiple_of3A_241] : memref<2560000xf32, #tpu.memory_space<hbm>> -> memref<2000xf32, #tpu.memory_space<hbm>>
      tpu.wait_dma2 semaphore(%arg22 : memref<!tpu.dma_semaphore, #tpu.memory_space<semaphore_mem>>) src(%dma_wait3A_243 : memref<2000xf32, #tpu.memory_space<hbm>>) dst(%arg16 : memref<2000xf32, #tpu.memory_space<vmem>>)
      %gt3A_244 = arith.constant 0 : i32
      %gt3A_245 = arith.cmpi sgt, %scan3A_181, %gt3A_244 : i32
      %convert_element_type3A_246 = arith.extui %gt3A_245 : i1 to i32
      %cond3A_247 = arith.constant 0 : i32
      %cond3A_248 = arith.cmpi ne, %convert_element_type3A_246, %cond3A_247 : i32
      scf.if %cond3A_248 {
        %sub3A_271 = arith.constant 2 : i32
        %sub3A_272 = arith.subi %add3A_228, %sub3A_271 : i32
        %mul3A_273 = arith.constant 320000 : i32
        %mul3A_274 = arith.muli %add3A, %mul3A_273 : i32
        %add3A_275 = arith.addi %mul3A_274, %mul3A_32 : i32
        %mul3A_276 = arith.constant 2000 : i32
        %mul3A_277 = arith.muli %sub3A_272, %mul3A_276 : i32
        %add3A_278 = arith.addi %add3A_275, %mul3A_277 : i32
        %multiple_of3A_279 = tpu.assume_multiple %add3A_278, 8 : i32
        %dma_wait3A_280 = tpu.memref_slice %arg5[%multiple_of3A_279] : memref<2560000xf32, #tpu.memory_space<hbm>> -> memref<2000xf32, #tpu.memory_space<hbm>>
        %dma_wait3A_281 = tpu.memref_slice %arg5[%multiple_of3A_279] : memref<2560000xf32, #tpu.memory_space<hbm>> -> memref<2000xf32, #tpu.memory_space<hbm>>
        tpu.wait_dma2 semaphore(%arg24 : memref<!tpu.dma_semaphore, #tpu.memory_space<semaphore_mem>>) src(%arg14 : memref<2000xf32, #tpu.memory_space<vmem>>) dst(%dma_wait3A_281 : memref<2000xf32, #tpu.memory_space<hbm>>)
      } else {
      }
      %scan3A_249 = arith.constant 0 : i32
      %scan3A_250 = arith.constant 0 : i32
      %scan3A_251 = arith.constant 25 : i32
      %scan3A_252 = arith.addi %scan3A_250, %scan3A_251 : i32
      %scan3A_253 = arith.constant 1 : i32
      scf.for %scan3A_271 = %scan3A_250 to %scan3A_252 step %scan3A_253  : i32 {
        %mul3A_272 = arith.constant 5 : i32
        %mul3A_273 = arith.muli %scan3A_271, %mul3A_272 : i32
        %add3A_274 = arith.constant 0 : i32
        %add3A_275 = arith.addi %mul3A_273, %add3A_274 : i32
        %mul3A_276 = arith.constant 16 : i32
        %mul3A_277 = arith.muli %add3A_275, %mul3A_276 : i32
        %add3A_278 = arith.constant 16 : i32
        %add3A_279 = arith.addi %mul3A_277, %add3A_278 : i32
        %get3A = arith.index_cast %add3A_279 : i32 to index
        %get3A_280 = tpu.vector_load %arg10[%get3A] {strides = array<i32>} : memref<2032xi32, #tpu.memory_space<vmem>>, vector<16xi32>,
        %gather3A = tpu.vector_load_idx %arg8[%get3A_280] : memref<10000xf32, #tpu.memory_space<vmem>>[vector<16xi32>], vector<16xf32>,
        %get3A_281 = arith.index_cast %mul3A_277 : i32 to index
        %get3A_282 = tpu.vector_load %arg16[%get3A_281] {strides = array<i32>} : memref<2000xf32, #tpu.memory_space<vmem>>, vector<16xf32>,
        %mul3A_283 = arith.mulf %get3A_282, %gather3A : vector<16xf32>
        %swap3A = arith.index_cast %mul3A_277 : i32 to index
        %swap3A_284 = tpu.vector_load %arg14[%swap3A] {strides = array<i32>} : memref<2000xf32, #tpu.memory_space<vmem>>, vector<16xf32>,
        tpu.vector_store %arg14[%swap3A], %mul3A_283 {strides = array<i32>} : memref<2000xf32, #tpu.memory_space<vmem>>, vector<16xf32>,
        %mul3A_285 = arith.constant 5 : i32
        %mul3A_286 = arith.muli %scan3A_271, %mul3A_285 : i32
        %add3A_287 = arith.constant 1 : i32
        %add3A_288 = arith.addi %mul3A_286, %add3A_287 : i32
        %mul3A_289 = arith.constant 16 : i32
        %mul3A_290 = arith.muli %add3A_288, %mul3A_289 : i32
        %add3A_291 = arith.constant 16 : i32
        %add3A_292 = arith.addi %mul3A_290, %add3A_291 : i32
        %get3A_293 = arith.index_cast %add3A_292 : i32 to index
        %get3A_294 = tpu.vector_load %arg10[%get3A_293] {strides = array<i32>} : memref<2032xi32, #tpu.memory_space<vmem>>, vector<16xi32>,
        %gather3A_295 = tpu.vector_load_idx %arg8[%get3A_294] : memref<10000xf32, #tpu.memory_space<vmem>>[vector<16xi32>], vector<16xf32>,
        %get3A_296 = arith.index_cast %mul3A_290 : i32 to index
        %get3A_297 = tpu.vector_load %arg16[%get3A_296] {strides = array<i32>} : memref<2000xf32, #tpu.memory_space<vmem>>, vector<16xf32>,
        %mul3A_298 = arith.mulf %get3A_297, %gather3A_295 : vector<16xf32>
        %swap3A_299 = arith.index_cast %mul3A_290 : i32 to index
        %swap3A_300 = tpu.vector_load %arg14[%swap3A_299] {strides = array<i32>} : memref<2000xf32, #tpu.memory_space<vmem>>, vector<16xf32>,
        tpu.vector_store %arg14[%swap3A_299], %mul3A_298 {strides = array<i32>} : memref<2000xf32, #tpu.memory_space<vmem>>, vector<16xf32>,
        %mul3A_301 = arith.constant 5 : i32
        %mul3A_302 = arith.muli %scan3A_271, %mul3A_301 : i32
        %add3A_303 = arith.constant 2 : i32
        %add3A_304 = arith.addi %mul3A_302, %add3A_303 : i32
        %mul3A_305 = arith.constant 16 : i32
        %mul3A_306 = arith.muli %add3A_304, %mul3A_305 : i32
        %add3A_307 = arith.constant 16 : i32
        %add3A_308 = arith.addi %mul3A_306, %add3A_307 : i32
        %get3A_309 = arith.index_cast %add3A_308 : i32 to index
        %get3A_310 = tpu.vector_load %arg10[%get3A_309] {strides = array<i32>} : memref<2032xi32, #tpu.memory_space<vmem>>, vector<16xi32>,
        %gather3A_311 = tpu.vector_load_idx %arg8[%get3A_310] : memref<10000xf32, #tpu.memory_space<vmem>>[vector<16xi32>], vector<16xf32>,
        %get3A_312 = arith.index_cast %mul3A_306 : i32 to index
        %get3A_313 = tpu.vector_load %arg16[%get3A_312] {strides = array<i32>} : memref<2000xf32, #tpu.memory_space<vmem>>, vector<16xf32>,
        %mul3A_314 = arith.mulf %get3A_313, %gather3A_311 : vector<16xf32>
        %swap3A_315 = arith.index_cast %mul3A_306 : i32 to index
        %swap3A_316 = tpu.vector_load %arg14[%swap3A_315] {strides = array<i32>} : memref<2000xf32, #tpu.memory_space<vmem>>, vector<16xf32>,
        tpu.vector_store %arg14[%swap3A_315], %mul3A_314 {strides = array<i32>} : memref<2000xf32, #tpu.memory_space<vmem>>, vector<16xf32>,
        %mul3A_317 = arith.constant 5 : i32
        %mul3A_318 = arith.muli %scan3A_271, %mul3A_317 : i32
        %add3A_319 = arith.constant 3 : i32
        %add3A_320 = arith.addi %mul3A_318, %add3A_319 : i32
        %mul3A_321 = arith.constant 16 : i32
        %mul3A_322 = arith.muli %add3A_320, %mul3A_321 : i32
        %add3A_323 = arith.constant 16 : i32
        %add3A_324 = arith.addi %mul3A_322, %add3A_323 : i32
        %get3A_325 = arith.index_cast %add3A_324 : i32 to index
        %get3A_326 = tpu.vector_load %arg10[%get3A_325] {strides = array<i32>} : memref<2032xi32, #tpu.memory_space<vmem>>, vector<16xi32>,
        %gather3A_327 = tpu.vector_load_idx %arg8[%get3A_326] : memref<10000xf32, #tpu.memory_space<vmem>>[vector<16xi32>], vector<16xf32>,
        %get3A_328 = arith.index_cast %mul3A_322 : i32 to index
        %get3A_329 = tpu.vector_load %arg16[%get3A_328] {strides = array<i32>} : memref<2000xf32, #tpu.memory_space<vmem>>, vector<16xf32>,
        %mul3A_330 = arith.mulf %get3A_329, %gather3A_327 : vector<16xf32>
        %swap3A_331 = arith.index_cast %mul3A_322 : i32 to index
        %swap3A_332 = tpu.vector_load %arg14[%swap3A_331] {strides = array<i32>} : memref<2000xf32, #tpu.memory_space<vmem>>, vector<16xf32>,
        tpu.vector_store %arg14[%swap3A_331], %mul3A_330 {strides = array<i32>} : memref<2000xf32, #tpu.memory_space<vmem>>, vector<16xf32>,
        %mul3A_333 = arith.constant 5 : i32
        %mul3A_334 = arith.muli %scan3A_271, %mul3A_333 : i32
        %add3A_335 = arith.constant 4 : i32
        %add3A_336 = arith.addi %mul3A_334, %add3A_335 : i32
        %mul3A_337 = arith.constant 16 : i32
        %mul3A_338 = arith.muli %add3A_336, %mul3A_337 : i32
        %add3A_339 = arith.constant 16 : i32
        %add3A_340 = arith.addi %mul3A_338, %add3A_339 : i32
        %get3A_341 = arith.index_cast %add3A_340 : i32 to index
        %get3A_342 = tpu.vector_load %arg10[%get3A_341] {strides = array<i32>} : memref<2032xi32, #tpu.memory_space<vmem>>, vector<16xi32>,
        %gather3A_343 = tpu.vector_load_idx %arg8[%get3A_342] : memref<10000xf32, #tpu.memory_space<vmem>>[vector<16xi32>], vector<16xf32>,
        %get3A_344 = arith.index_cast %mul3A_338 : i32 to index
        %get3A_345 = tpu.vector_load %arg16[%get3A_344] {strides = array<i32>} : memref<2000xf32, #tpu.memory_space<vmem>>, vector<16xf32>,
        %mul3A_346 = arith.mulf %get3A_345, %gather3A_343 : vector<16xf32>
        %swap3A_347 = arith.index_cast %mul3A_338 : i32 to index
        %swap3A_348 = tpu.vector_load %arg14[%swap3A_347] {strides = array<i32>} : memref<2000xf32, #tpu.memory_space<vmem>>, vector<16xf32>,
        tpu.vector_store %arg14[%swap3A_347], %mul3A_346 {strides = array<i32>} : memref<2000xf32, #tpu.memory_space<vmem>>, vector<16xf32>,
      }
      %scan3A_254 = arith.constant 25 : i32
      %mul3A_255 = arith.constant 320000 : i32
      %mul3A_256 = arith.muli %add3A, %mul3A_255 : i32
      %add3A_257 = arith.addi %mul3A_256, %mul3A_32 : i32
      %mul3A_258 = arith.constant 2000 : i32
      %mul3A_259 = arith.muli %add3A_228, %mul3A_258 : i32
      %add3A_260 = arith.addi %add3A_257, %mul3A_259 : i32
      %multiple_of3A_261 = tpu.assume_multiple %add3A_260, 8 : i32
      %dma_start3A_262 = tpu.memref_slice %arg5[%multiple_of3A_261] : memref<2560000xf32, #tpu.memory_space<hbm>> -> memref<2000xf32, #tpu.memory_space<hbm>>
      %dma_start3A_263 = tpu.memref_slice %arg5[%multiple_of3A_261] : memref<2560000xf32, #tpu.memory_space<hbm>> -> memref<2000xf32, #tpu.memory_space<hbm>>
      tpu.enqueue_dma source(%arg14 : memref<2000xf32, #tpu.memory_space<vmem>>) target(%dma_start3A_263 : memref<2000xf32, #tpu.memory_space<hbm>>) target_semaphore(%arg24 : memref<!tpu.dma_semaphore, #tpu.memory_space<semaphore_mem>>)
      %add3A_264 = arith.constant 2 : i32
      %add3A_265 = arith.addi %add3A_228, %add3A_264 : i32
      %lt3A_266 = arith.constant 40 : i32
      %lt3A_267 = arith.cmpi slt, %add3A_265, %lt3A_266 : i32
      %convert_element_type3A_268 = arith.extui %lt3A_267 : i1 to i32
      %cond3A_269 = arith.constant 0 : i32
      %cond3A_270 = arith.cmpi ne, %convert_element_type3A_268, %cond3A_269 : i32
      scf.if %cond3A_270 {
        %add3A_271 = arith.constant 2 : i32
        %add3A_272 = arith.addi %add3A_228, %add3A_271 : i32
        %mul3A_273 = arith.constant 2000 : i32
        %mul3A_274 = arith.muli %add3A_272, %mul3A_273 : i32
        %add3A_275 = arith.addi %mul3A_32, %mul3A_274 : i32
        %multiple_of3A_276 = tpu.assume_multiple %add3A_275, 8 : i32
        %dma_start3A_277 = tpu.memref_slice %arg3[%multiple_of3A_276] : memref<320032xi32, #tpu.memory_space<hbm>> -> memref<2032xi32, #tpu.memory_space<hbm>>
        %dma_start3A_278 = tpu.memref_slice %arg3[%multiple_of3A_276] : memref<320032xi32, #tpu.memory_space<hbm>> -> memref<2032xi32, #tpu.memory_space<hbm>>
        tpu.enqueue_dma source(%dma_start3A_278 : memref<2032xi32, #tpu.memory_space<hbm>>) target(%arg10 : memref<2032xi32, #tpu.memory_space<vmem>>) target_semaphore(%arg20 : memref<!tpu.dma_semaphore, #tpu.memory_space<semaphore_mem>>)
        %add3A_279 = arith.constant 2 : i32
        %add3A_280 = arith.addi %add3A_228, %add3A_279 : i32
        %mul3A_281 = arith.constant 320000 : i32
        %mul3A_282 = arith.muli %add3A, %mul3A_281 : i32
        %add3A_283 = arith.addi %mul3A_282, %mul3A_32 : i32
        %mul3A_284 = arith.constant 2000 : i32
        %mul3A_285 = arith.muli %add3A_280, %mul3A_284 : i32
        %add3A_286 = arith.addi %add3A_283, %mul3A_285 : i32
        %multiple_of3A_287 = tpu.assume_multiple %add3A_286, 8 : i32
        %dma_start3A_288 = tpu.memref_slice %arg5[%multiple_of3A_287] : memref<2560000xf32, #tpu.memory_space<hbm>> -> memref<2000xf32, #tpu.memory_space<hbm>>
        %dma_start3A_289 = tpu.memref_slice %arg5[%multiple_of3A_287] : memref<2560000xf32, #tpu.memory_space<hbm>> -> memref<2000xf32, #tpu.memory_space<hbm>>
        tpu.enqueue_dma source(%dma_start3A_289 : memref<2000xf32, #tpu.memory_space<hbm>>) target(%arg16 : memref<2000xf32, #tpu.memory_space<vmem>>) target_semaphore(%arg22 : memref<!tpu.dma_semaphore, #tpu.memory_space<semaphore_mem>>)
      } else {
      }
    }
    %scan3A_164 = arith.constant 20 : i32
    %mul3A_165 = arith.constant 320000 : i32
    %mul3A_166 = arith.muli %add3A, %mul3A_165 : i32
    %add3A_167 = arith.addi %mul3A_166, %mul3A_32 : i32
    %add3A_168 = arith.constant 76000 : i32
    %add3A_169 = arith.addi %add3A_167, %add3A_168 : i32
    %multiple_of3A_170 = tpu.assume_multiple %add3A_169, 8 : i32
    %dma_wait3A_171 = tpu.memref_slice %arg5[%multiple_of3A_170] : memref<2560000xf32, #tpu.memory_space<hbm>> -> memref<2000xf32, #tpu.memory_space<hbm>>
    %dma_wait3A_172 = tpu.memref_slice %arg5[%multiple_of3A_170] : memref<2560000xf32, #tpu.memory_space<hbm>> -> memref<2000xf32, #tpu.memory_space<hbm>>
    tpu.wait_dma2 semaphore(%arg23 : memref<!tpu.dma_semaphore, #tpu.memory_space<semaphore_mem>>) src(%arg13 : memref<2000xf32, #tpu.memory_space<vmem>>) dst(%dma_wait3A_172 : memref<2000xf32, #tpu.memory_space<hbm>>)
    %mul3A_173 = arith.constant 320000 : i32
    %mul3A_174 = arith.muli %add3A, %mul3A_173 : i32
    %add3A_175 = arith.addi %mul3A_174, %mul3A_32 : i32
    %add3A_176 = arith.constant 78000 : i32
    %add3A_177 = arith.addi %add3A_175, %add3A_176 : i32
    %multiple_of3A_178 = tpu.assume_multiple %add3A_177, 8 : i32
    %dma_wait3A_179 = tpu.memref_slice %arg5[%multiple_of3A_178] : memref<2560000xf32, #tpu.memory_space<hbm>> -> memref<2000xf32, #tpu.memory_space<hbm>>
    %dma_wait3A_180 = tpu.memref_slice %arg5[%multiple_of3A_178] : memref<2560000xf32, #tpu.memory_space<hbm>> -> memref<2000xf32, #tpu.memory_space<hbm>>
    tpu.wait_dma2 semaphore(%arg24 : memref<!tpu.dma_semaphore, #tpu.memory_space<semaphore_mem>>) src(%arg14 : memref<2000xf32, #tpu.memory_space<vmem>>) dst(%dma_wait3A_180 : memref<2000xf32, #tpu.memory_space<hbm>>)
    return
  }
}

module attributes {stable_mosaic.version = 14 : i64} {
  func.func @_proj_body(%arg0: memref<128x16xf32, #tpu.memory_space<vmem>>, %arg1: memref<10000x128xf32, #tpu.memory_space<vmem>>, %arg2: memref<16x10000xf32, #tpu.memory_space<vmem>>) attributes {dimension_semantics = [], scalar_prefetch = 0 : i64, scratch_operands = 0 : i64, tpu.core_type = #tpu.core_type<tc>} {
    %get3A = arith.constant 0 : index
    %get3A_0 = arith.constant 0 : index
    %get3A_1 = vector.load %arg0[%get3A, %get3A_0] : memref<128x16xf32, #tpu.memory_space<vmem>>, vector<128x16xf32>
    %get3A_2 = arith.constant 0 : index
    %get3A_3 = arith.constant 0 : index
    %get3A_4 = vector.load %arg1[%get3A_2, %get3A_3] : memref<10000x128xf32, #tpu.memory_space<vmem>>, vector<10000x128xf32>
    %dot_general3A = arith.constant dense<0.000000e+00> : vector<16x10000xf32>
    %dot_general3A_5 = tpu.matmul %get3A_1, %get3A_4, %dot_general3A {dimension_numbers = #tpu.dot_dimension_numbers<[0], [1], [1], [0], [0, 1, 1, 0], [], []>, transpose_lhs_hint = false} : vector<128x16xf32>, vector<10000x128xf32>, vector<16x10000xf32> -> vector<16x10000xf32>
    %swap3A = arith.constant 0 : index
    %swap3A_6 = arith.constant 0 : index
    %swap3A_7 = vector.load %arg2[%swap3A, %swap3A_6] : memref<16x10000xf32, #tpu.memory_space<vmem>>, vector<16x10000xf32>
    tpu.vector_store %arg2[%swap3A, %swap3A_6], %dot_general3A_5 {strides = array<i32>} : memref<16x10000xf32, #tpu.memory_space<vmem>>, vector<16x10000xf32>,
    return
  }
}

</mosaic_0001>

<sc_bundles>
// kernel: kernel.4.cloned.1.call-start
scs
__scs_entry_jumppad:
0x0: {  	(pc) =	sbr.rel $0x88, $3  }
0x1: {  	(tag) =	ssettag $0x0;
	lr =	simm.s32 $0x1  }
0x2: {  	[smem:$0x3F9D] =	sst lr;
	_ =	strace $0xD0000000  }
0x3: {  	_ = 	snop  }
0x4: {  	_ = 	snop  }
0x5: {  	_ = 	snop  }
0x6: {  	_ = 	snop  }
0x7: {  	_ = 	snop  }
__scs_overlays_trampoline_lowered:
0x8: {  	[smem:$0x3FAC] =	sst s0  }
0x9: {  	[smem:$0x3FAD] =	sst s1  }
0xa: {  	[smem:$0x3FAE] =	sst s2  }
0xb: {  	[smem:$0x3FAF] =	sst s3  }
0xc: {  	[smem:$0x3FB0] =	sst s4  }
0xd: {  	[smem:$0x3FB1] =	sst s5  }
0xe: {  	[smem:$0x3FB2] =	sst s6  }
0xf: {  	[smem:$0x3FB3] =	sst s7  }
0x10: {  	[smem:$0x3FB4] =	sst s8  }
0x11: {  	[smem:$0x3FB5] =	sst s9;
	s0 =	simm.s32 @!p0 $0x0  }
0x12: {  	s1 =	sld [smem:$0x3F9B];
	s0 =	simm.s32 @p0 $0x1  }
0x13: {  	[smem:$0x3FB6] =	sst s0;
	s0 =	simm.s32 @!p1 $0x0  }
0x14: {  	s2 =	sld [smem:$0x3F9A];
	s0 =	simm.s32 @p1 $0x1  }
0x15: {  	[smem:$0x3FB7] =	sst s0;
	s0 =	simm.s32 @!p2 $0x0  }
0x16: {  	s3 =	sld [smem:$0x3FDB];
	s0 =	simm.s32 @p2 $0x1  }
0x17: {  	s4 =	simm.s32 $0x1BF5;
	[smem:$0x3FB9] =	sst s0  }
0x18: {  	s0 =	sld [smem:$0x3F9C];
	_ =	swait.ge [sflag:s4], $0x0  }
0x19: {  	s7 =	sld [smem:$0x3F9D]  }
0x1a: {  	s8 =	sadd.s32 $0xFFFFE003, lr  }
0x1b: {  	s9 =	sadd.s32 $0xFFFFFEF7, lr;
	s5 =	simm.s32 $0xFFFFFFFF;
	p2 =	slt.u32 s8, $0xFFFFF086  }
0x1c: {  	p1 =	slt.u32 s9, $0xF7A;
	s5 =	simm.s32 @!p2 $0x0  }
0x1d: {  	s5 =	simm.s32 @p1 $0x1;
	p0 =	seq.s32 s7, s2  }
0x1e: {  	s7 =	smul.u32 @!p0 $0xF7A, s2;
	p2 =	seq.s32 @!p0 s5, $0x0  }
0x1f: {  	s9 =	smul.u32 $0xF7A, s1;
	s8 =	simm.s32 @!p0 $0x1BF5;
	p2 =	por !p2, p0  }
0x20: {  	[sflag:s8] =	ssyncset.s32 @!p0 $0xFFFFF086;
	s6 =	sadd.s32 @!p0 s3, s7;
	s7 =	simm.s32 @!p0 $0x108  }
0x21: {  	s3 =	sadd.s32 s3, s9;
	s6 =	sadd.s32 @!p0 $0x88, s6;
	s7 =	simm.s32 @p2 $0x1082  }
0x22: {  	[simem:s7], [sflag:s8] =	dma.local @!p0 [hbm:s6], $0xF7A  }
0x23: {  	s9 =	sor.u32 $0xD0000000, s2;
	s6 =	simm.s32 $0x108;
	_ =	swait.ge @!p0 [sflag:s8], $0x0  }
0x24: {  	s3 =	sadd.s32 $0x88, s3;
	s6 =	simm.s32 @!p1 $0x1082;
	[sflag:s4] =	ssyncset.s32 $0xFFFFF086  }
0x25: {  	[simem:s6], [sflag:s4] =	dma.local [hbm:s3], $0xF7A  }
0x26: {  	[smem:$0x3F9D] =	sst s1;
	(tag) =	ssettag s2;
	_ =	strace s9  }
0x27: {  	s1 =	sld [smem:$0x3FAD]  }
0x28: {  	s2 =	sld [smem:$0x3FAE]  }
0x29: {  	s4 =	sld [smem:$0x3FB0]  }
0x2a: {  	p0 =	seq.s32 s5, $0x0;
	s5 =	sld [smem:$0x3FB1]  }
0x2b: {  	s6 =	sld [smem:$0x3FB2]  }
0x2c: {  	s7 =	sld [smem:$0x3FB3]  }
0x2d: {  	s3 =	simm.s32 $0x108;
	s8 =	sld [smem:$0x3FB4]  }
0x2e: {  	s3 =	simm.s32 @!p0 $0x1082;
	s9 =	sld [smem:$0x3FB5]  }
0x2f: {  	lr =	sadd.s32 s0, s3;
	s0 =	sld [smem:$0x3FAC]  }
0x30: {  	s3 =	sld [smem:$0x3FAF]  }
0x31: {  	[smem:$0x3FB8] =	sst s10  }
0x32: {  	s10 =	sld [smem:$0x3FB6];
	_ =	sdelay $0x3  }
0x33: {  	p0 =	seq.s32 s10, $0x1;
	s10 =	sld [smem:$0x3FB8];
	_ =	sdelay $0x3  }
0x34: {  	[smem:$0x3FB8] =	sst s10  }
0x35: {  	s10 =	sld [smem:$0x3FB7];
	_ =	sdelay $0x3  }
0x36: {  	p1 =	seq.s32 s10, $0x1;
	s10 =	sld [smem:$0x3FB8];
	_ =	sdelay $0x3  }
0x37: {  	[smem:$0x3FB8] =	sst s10  }
0x38: {  	s10 =	sld [smem:$0x3FB9]  }
0x39: {  	_ = 	snop;
	(pc) =	sbr.ind lr, $3  }
0x3a: {  	_ = 	snop  }
0x3b: {  	_ = 	snop  }
0x3c: {  	p2 =	seq.s32 s10, $0x1;
	s10 =	sld [smem:$0x3FB8]  }
0x3d: {  	_ =	shalt  }
0x3e: {  	_ =	shalt  }
0x3f: {  	_ =	shalt  }
0x40: {  	_ =	shalt  }
0x41: {  	_ =	shalt  }
0x42: {  	_ =	shalt  }
0x43: {  	_ =	shalt  }
0x44: {  	_ =	shalt  }
0x45: {  	_ =	shalt  }
0x46: {  	_ =	shalt  }
0x47: {  	_ =	shalt  }
0x48: {  	_ =	shalt  }
0x49: {  	_ =	shalt  }
0x4a: {  	_ =	shalt  }
0x4b: {  	_ =	shalt  }
0x4c: {  	_ =	shalt  }
0x4d: {  	_ =	shalt  }
0x4e: {  	_ =	shalt  }
0x4f: {  	_ =	shalt  }
0x50: {  	_ =	shalt  }
0x51: {  	_ =	shalt  }
0x52: {  	_ =	shalt  }
0x53: {  	_ =	shalt  }
0x54: {  	_ =	shalt  }
0x55: {  	_ =	shalt  }
0x56: {  	_ =	shalt  }
0x57: {  	_ =	shalt  }
0x58: {  	_ =	shalt  }
0x59: {  	_ =	shalt  }
0x5a: {  	_ =	shalt  }
0x5b: {  	_ =	shalt  }
0x5c: {  	_ =	shalt  }
0x5d: {  	_ =	shalt  }
0x5e: {  	_ =	shalt  }
0x5f: {  	_ =	shalt  }
0x60: {  	_ =	shalt  }
0x61: {  	_ =	shalt  }
0x62: {  	_ =	shalt  }
0x63: {  	_ =	shalt  }
0x64: {  	_ =	shalt  }
0x65: {  	_ =	shalt  }
0x66: {  	_ =	shalt  }
0x67: {  	_ =	shalt  }
0x68: {  	_ =	shalt  }
0x69: {  	_ =	shalt  }
0x6a: {  	_ =	shalt  }
0x6b: {  	_ =	shalt  }
0x6c: {  	_ =	shalt  }
0x6d: {  	_ =	shalt  }
0x6e: {  	_ =	shalt  }
0x6f: {  	_ =	shalt  }
0x70: {  	_ =	shalt  }
0x71: {  	_ =	shalt  }
0x72: {  	_ =	shalt  }
0x73: {  	_ =	shalt  }
0x74: {  	_ =	shalt  }
0x75: {  	_ =	shalt  }
0x76: {  	_ =	shalt  }
0x77: {  	_ =	shalt  }
0x78: {  	_ =	shalt  }
0x79: {  	_ =	shalt  }
0x7a: {  	_ =	shalt  }
0x7b: {  	_ =	shalt  }
0x7c: {  	_ =	shalt  }
0x7d: {  	_ =	shalt  }
0x7e: {  	_ =	shalt  }
0x7f: {  	_ =	shalt  }
0x80: {  	_ =	shalt  }
0x81: {  	_ =	shalt  }
0x82: {  	_ =	shalt  }
0x83: {  	_ =	shalt  }
0x84: {  	_ =	shalt  }
0x85: {  	_ =	shalt  }
0x86: {  	_ =	shalt  }
0x87: {  	_ =	shalt  }
.Lfunc_end0:
.L_simem_size_0:
called_computation_lowered:
.L_overlay_start_0:
0x88: {  	s2 =	sld [smem:$0x3FD9]  }
0x89: {  	s3 =	sld [smem:$0x3FFE];
	_ =	sdelay $0x1  }
0x8a: {  	s1 =	srdreg.scid  }
0x8b: {  	s0 =	sand.u32 $0x1, s1  }
0x8c: {  	s17 =	sshll.u32 s0, $0xA;
	s2 =	sadd.s32 s3, s2  }
0x8d: {  	s2 =	sadd.s32 s2, s17  }
0x8e: {  	[smem:$0x3FC4] =	sst s2  }
0x8f: {  	_ = 	snop  }
0x90: {  	s2 =	sld [smem:$0x3FC7]  }
0x91: {  	s18 =	sld [smem:$0x3FD0];
	(tm) =	ssettm $0x1  }
0x92: {  	s4 =	sld [smem:$0x3FFB];
	_ =	sdelay $0x3  }
0x93: {  	_ =	strace s4  }
0x94: {  	s4 =	sld [smem:$0x3FFC];
	_ =	sdelay $0x3  }
0x95: {  	_ =	strace s4  }
0x96: {  	s4 =	sld [smem:$0x3FFD];
	_ =	sdelay $0x3  }
0x97: {  	_ =	strace s4  }
0x98: {  	_ =	strace $0x8FFFFFFF  }
0x99: {  	s19 =	sld [smem:$0x3FDB];
	_ =	sdelay $0x1  }
0x9a: {  	s5 =	simm.s32 $_scs_section_size  }
0x9b: {  	s6 =	simm.s32 $_size__tile_overlayer_lowered;
	s7 =	simm.s32 $_tile_overlayer_lowered  }
0x9c: {  	s22 =	simm.s32 $0x1BFF;
	s21 =	sshll.u32 s7, $0x1;
	s4 =	sadd.s32 s5, s19  }
0x9d: {  	s8 =	simm.s32 $0x0;
	s20 =	sshll.u32 s6, $0x1;
	s6 =	sadd.s32 s21, s4  }
0x9e: {  	[timem:s8], [sflag:s22] =	dma.local [hbm:s6], s20  }
0x9f: {  	_ =	swait.ge [sflag:s22], s20  }
0xa0: {  	s5 =	ssub.s32 $0x0, s20;
	[sflag:s22] =	ssyncset.done $0x0  }
0xa1: {  	[sflag:s22] =	ssyncadd.s32 s5;
	_ =	sdelay $0x1  }
0xa2: {  	s23 =	simm.s32 $0x1B8B  }
0xa3: {  	_ =	swait.ge [sflag:s23], $0x1  }
0xa4: {  	[sflag:s23] =	ssyncset.done $0x0  }
0xa5: {  	s25 =	simm.s32 $0x1B8E;
	s24 =	sld [smem:$0x3FFE];
	[sflag:s23] =	ssyncadd.s32 $0xFFFFFFFF  }
0xa6: {  	s26 =	simm.s32 $execute0_lowered;
	[smem:$0x3FD2] =	sst s25  }
0xa7: {  	s6 =	sshll.u32 s26, $0x1;
	_ =	strace $0x80000046;
	[dreg:$0x1] =	wrdreg $0xFFFFFFFF  }
0xa8: {  	s28 =	simm.s32 $_size_execute0_lowered;
	s4 =	sadd.s32 s4, s6;
	[dreg:$0x0] =	wrdreg $0x0  }
0xa9: {  	s6 =	sshll.u32 s28, $0x1;
	[dreg:$0x2] =	wrdreg s4  }
0xaa: {  	[dreg:$0x3] =	wrdreg s6  }
0xab: {  	[dreg:$0x4] =	wrdreg $0xC0  }
0xac: {  	_ =	task [dreg:s8], $0x5FFFF  }
0xad: {  	[dreg:$0x1] =	wrdreg $0xFFFFFFFF  }
0xae: {  	[dreg:$0x0] =	wrdreg $0x60  }
0xaf: {  	[dreg:$0x2] =	wrdreg s24  }
0xb0: {  	[dreg:$0x3] =	wrdreg s18  }
0xb1: {  	[dreg:$0x4] =	wrdreg s2  }
0xb2: {  	[dreg:$0x5] =	wrdreg $0xBE800  }
0xb3: {  	[dreg:$0x6] =	wrdreg $0x9  }
0xb4: {  	_ =	task.clear_ibuf [dreg:s8], $0x7FFFF;
	_ =	strace $0x90000046  }
0xb5: {  	s29 =	simm.s32 $0x9;
	_ =	strace $0x80000048  }
0xb6: {  	_ =	swait.ge [sflag:s29], $0x1  }
0xb7: {  	[sflag:s29] =	ssyncadd.s32 $0xFFFFFFFF  }
0xb8: {  	_ =	strace $0x90000048  }
0xb9: {  	_ =	sfence  }
0xba: {  	s30 =	sld [smem:$0x0];
	_ =	sdelay $0x2  }
0xbb: {  	s31 =	sshll.u32 s1, $0xD;
	s1 =	sshrl.u32 s1, $0x2  }
0xbc: {  	s3 =	sand.u32 $0x4000, s31;
	s1 =	sadd.s32 s1, s30  }
0xbd: {  	s0 =	sor.u32 s3, s0;
	s1 =	sshll.u32 s1, $0x11  }
0xbe: {  	s0 =	sor.u32 s1, s0  }
0xbf: {  	s0 =	sadd.s32 $0x8F2B, s0  }
0xc0: {  	[sflag:s0] =	ssyncadd.remote.s32 $0x1  }
0xc1: {  	_ =	sfence.sel $0xFFFF  }
0xc2: {  	[dreg:$0x0] =	wrdreg $0xFFFFFFFF;
	(pc) =	sbr.abs _section_cstart, $3  }
0xc3: {  	[dreg:$0x1] =	wrdreg $0xFFFFFFFF  }
0xc4: {  	_ =	task.clear_ibuf [dreg:s8], $0x2FFFF;
	_ =	strace $0x9FFFFFFF  }
0xc5: {  	(tm) =	ssettm $0x7FFFFFFF  }
tec
execute0_lowered:
.L_overlay_start_1:
0x0: {  	(tag) =	ssettag $0x1  }
0x1: {  	s0 =	rddreg [dreg:$0x0]  }
0x2: {  	s1 =	rddreg [dreg:$0x1]  }
0x3: {  	s3 =	rddreg [dreg:$0x2]  }
0x4: {  	s4 =	rddreg [dreg:$0x3]  }
0x5: {  	s2 =	srdreg.scid;
	s13 =	stileid.u32  }
0x6: {  	s5 =	simm.s32 $0x0;
	s29 =	simm.s32 $0x7E80;
	s30 =	simm.s32 $0x8E80  }
0x7: {  	s31 =	simm.s32 $0x1;
	s2 =	sand.u32 $0x1, s2;
	s7 =	sshrl.u32 s13, $0x2  }
0x8: {  	s17 =	sand.u32 $0x3, s13;
	s24 =	smul.u32 $0x9C40, s13;
	s6 =	sshll.u32 s2, $0x2  }
0x9: {  	s28 =	simm.s32 $0x9680;
	s8 =	sor.u32 s7, s6;
	s6 =	smul.u32 $0x13880, s17  }
0xa: {  	[smem:$0x7FF] =	sst s5;
	s2 =	ssub.s32 $0x2, s2;
	s7 =	smul.u32 $0x2710, s8  }
0xb: {  	s9 =	sadd.s32 $0xA00, s0;
	s10 =	sshrl.u32 s2, $0x1;
	s11 =	smul.u32 $0x4E2, s8  }
0xc: {  	_ =	strace $0x80000047;
	s18 =	ssub.s32 s2, s10;
	s8 =	smul.u32 $0x4E200, s8  }
0xd: {  	s20 =	sshrl.u32 s6, $0x3;
	s15 =	sadd.s32 $0xFA0, s6;
	s17 =	sadd.s32 $0x1770, s6  }
0xe: {  	s12 =	sshrl.u32 s7, $0x3;
	s7 =	sadd.s32 $0x5A00, s0;
	s21 =	sadd.s32 s1, s20  }
0xf: {  	s22 =	sadd.s32 $0xFA, s20;
	s14 =	sadd.s32 s6, s8;
	s0 =	smax.u32 s18, $0x1  }
0x10: {  	s8 =	simm.s32 $0x2;
	s18 =	simm.s32 $0xB680;
	s19 =	sadd.s32 s9, s12  }
0x11: {  	s9 =	sadd.s32 s9, s11;
	[dreg:$0x7] =	wrdreg s21;
	s23 =	sadd.s32 s1, s22  }
0x12: {  	s16 =	sadd.s32 $0x7D0, s14;
	s25 =	sshrl.u32 s14, $0x3;
	[dreg:$0xe] =	wrdreg s0  }
0x13: {  	s0 =	simm.s32 $0x3;
	s11 =	simm.s32 $0x9E80;
	[dreg:$0x5] =	wrdreg s9  }
0x14: {  	s21 =	simm.s32 $0xAE80;
	s2 =	sadd.s32 $0x2710, s19;
	[dreg:$0x9] =	wrdreg s23  }
0x15: {  	s9 =	sadd.s32 s3, s22;
	s19 =	sand.u32 $0xC, s13;
	[dreg:$0x6] =	wrdreg s2  }
0x16: {  	s26 =	sshrl.u32 s16, $0x3;
	s2 =	sadd.s32 s3, s20;
	[dreg:$0xa] =	wrdreg s9  }
.Ltmp0:
0x17: {  	[dreg:$0x8] =	wrdreg s2;
	s2 =	sshrl.u32 s24, $0x2;
	(pc) =	sbr.rel .LBB2_1-.Ltmp0, $4  }
0x18: {  	s20 =	sadd.s32 $0x1, s13;
	s9 =	simm.s32 $0x4;
	s2 =	sadd.s32 s2, s4  }
0x19: {  	s13 =	simm.s32 $0x0;
	[dreg:$0xb] =	wrdreg s2;
	s2 =	sadd.s32 s7, s25  }
0x1a: {  	s24 =	simm.s32 $0x7;
	[dreg:$0xc] =	wrdreg s2;
	s2 =	sadd.s32 s7, s26  }
0x1b: {  	v0 =	vimm.f32 $0.0e+00;
	vm0 =	vmmov $0x1;
	vm1 =	vcmask $0x3F3C;
	s25 =	simm.s32 $0x2780;
	[dreg:$0xd] =	wrdreg s2;
	s2 =	simm.s32 $0x4F00  }
.LBB2_31:
0x1c: {  	s10 =	simm.s32 $0x5  }
0x1d: {  	_ =	swait.ge [sflag:s10], $0x7D0  }
0x1e: {  	[sflag:s10] =	ssyncset.done $0x0  }
0x1f: {  	s12 =	simm.s32 $0x6;
	[sflag:s10] =	ssyncadd.s32 $0xFFFFF830  }
0x20: {  	_ =	swait.ge [sflag:s12], $0x7D0  }
0x21: {  	s13 =	rddreg [dreg:$0xf]  }
0x22: {  	s26 =	rddreg [dreg:$0xe];
	s13 =	sadd.s32 $0x1, s13  }
0x23: {  	p0 =	sne.s32 s13, s26  }
.Ltmp1:
0x24: {  	_ = 	snop;
	(pc) =	sbr.rel @!p0 .LBB2_32-.Ltmp1, $3  }
0x25: {  	_ =	sdelay $0x1  }
0x26: {  	[sflag:s12] =	ssyncset.done $0x0  }
0x27: {  	[sflag:s12] =	ssyncadd.s32 $0xFFFFF830  }
.LBB2_1:
0x28: {  	s10 =	rddreg [dreg:$0x5]  }
0x29: {  	[tilespmem:s5], [sflag:$0x7] =	stream.linear.gather [hbm4b:s10+s5], $0x2710, $0x38;
	[tilespmem:$0xE590] =	vst v63  }
0x2a: {  	_ =	swait.ge [sflag:s24], $0x2710  }
0x2b: {  	[sflag:s24] =	ssyncset.done $0x0  }
0x2c: {  	s26 =	rddreg [dreg:$0x6];
	[sflag:s24] =	ssyncadd.s32 $0xFFFFD8F0  }
0x2d: {  	[tilespmem:s25], [sflag:$0x7] =	stream.linear.gather [hbm4b:s26+s5], $0x2710, $0x38;
	[tilespmem:$0xE590] =	vst v63  }
0x2e: {  	_ =	swait.ge [sflag:s24], $0x2710  }
0x2f: {  	[sflag:s24] =	ssyncset.done $0x0  }
0x30: {  	s12 =	simm.s32 $0x0;
	s10 =	simm.s32 $0x40;
	[sflag:s24] =	ssyncadd.s32 $0xFFFFD8F0  }
.LBB2_2:
0x31: {  	p0 =	sne.s32 s10, $0x9C00;
	[tilespmem:s12+$0x4F00] =	vst v0;
	s12 =	smov.u32 s10;
	s10 =	sadd.s32 $0x40, s10  }
.Ltmp2:
0x32: {  	(pc) =	sbr.rel @p0 .LBB2_2-.Ltmp2, $2  }
0x33: {  	_ =	sdelay $0x2  }
0x34: {  	s12 =	sshra.s32 s12, $0x2  }
0x35: {  	[dreg:$0xf] =	wrdreg s13  }
0x36: {  	[tilespmem:s12+$0x4F00] =	vst v0;
	s23 =	simm.s32 $0x0;
	s10 =	rddreg [dreg:$0x7];
	s26 =	simm.s32 $0x7680  }
0x37: {  	[tilespmem:s26], [sflag:$0x1] =	stream.linear.gather [hbm4b:s10+s23], $0x7F0, $0x38;
	[tilespmem:$0xE590] =	vst v63  }
0x38: {  	s12 =	rddreg [dreg:$0x8];
	s13 =	simm.s32 $0x8680  }
0x39: {  	[tilespmem:s13], [sflag:$0x3] =	stream.linear.gather [hbm4b:s12+s23], $0x7D0, $0x38;
	[tilespmem:$0xE590] =	vst v63  }
0x3a: {  	s22 =	rddreg [dreg:$0x9]  }
0x3b: {  	[tilespmem:s29], [sflag:$0x2] =	stream.linear.gather [hbm4b:s22+s23], $0x7F0, $0x38;
	[tilespmem:$0xE590] =	vst v63  }
0x3c: {  	s26 =	rddreg [dreg:$0xa]  }
0x3d: {  	[tilespmem:s30], [sflag:$0x4] =	stream.linear.gather [hbm4b:s26+s23], $0x7D0, $0x38;
	[tilespmem:$0xE590] =	vst v63  }
.LBB2_4:
0x3e: {  	_ =	swait.ge [sflag:s31], $0x7F0  }
0x3f: {  	[sflag:s31] =	ssyncset.done $0x0  }
0x40: {  	[sflag:s31] =	ssyncadd.s32 $0xFFFFF810  }
0x41: {  	_ =	swait.ge [sflag:s0], $0x7D0  }
0x42: {  	p0 =	seq.s32 s23, $0x0;
	[sflag:s0] =	ssyncset.done $0x0  }
0x43: {  	s12 =	simm.s32 @!p0 $0x5;
	[sflag:s0] =	ssyncadd.s32 $0xFFFFF830  }
0x44: {  	_ =	swait.ge @!p0 [sflag:s12], $0x7D0  }
0x45: {  	[sflag:s12] =	ssyncset.done @!p0 $0x0  }
0x46: {  	s10 =	smul.u32 $0xFA0, s23;
	[sflag:s12] =	ssyncadd.s32 @!p0 $0xFFFFF830;
	s12 =	simm.s32 $0x0  }
.LBB2_5:
0x47: {  	s13 =	sshra.s32 s12, $0x2  }
0x48: {  	v1 =	vld [tilespmem:s13+$0x7690]  }
0x49: {  	v2 =	vld [tilespmem:s13+$0x8680];
	_ =	sdelay $0x6  }
0x4a: {  	v3 =	vld.idx.msk [tilespmem:v1+s5+$0x0], $0xffff  }
0x4b: {  	v2 =	vld.idx.msk [tilespmem:v2+s25+$0x0], $0xffff;
	_ =	sdelay $0x4  }
0x4c: {  	v2 =	vadd.f32 v2, v3;
	_ =	sdelay $0x1  }
0x4d: {  	v3 =	vmul.f32 $2.000000030e-01, v2;
	_ =	sdelay $0x1  }
0x4e: {  	v2 =	vmax.f32 v2, v3  }
0x4f: {  	v2 =	vmul.f32 $1.442695020e+00, v2;
	_ =	sdelay $0x1  }
0x50: {  	(erf) = vpow2.f32 v2;
	_ =	sdelay $0x8  }
0x51: {  	v2 =	vpop (erf)  }
0x52: {  	(xrf2) =	vadd.scan.msk.f32 $0xffff, v2  }
0x53: {  	v3 =	vld [tilespmem:s13+$0x768F]  }
0x54: {  	v4 =	vld [tilespmem:s13+$0x7691];
	_ =	sdelay $0x3  }
0x55: {  	vm2 =	vne.s32 v1, v3  }
0x56: {  	vm3 =	vne.s32 v1, v4;
	vm2 =	vmor vm2, vm0  }
0x57: {  	vm3 =	vmor vm3, vm1;
	_ =	sdelay $0x1  }
0x58: {  	v3, _, _ =	vpop (xrf2)  }
0x59: {  	v59 =	vsub.f32 v2, v3  }
0x5a: {  	[tilespmem:s13+$0x9680] =	vst v2  }
0x5b: {  	[tilespmem:v1+s2+$0x0] =	vst.idx.add.f32.msk vm2, v59  }
0x5c: {  	[tilespmem:v1+s2+$0x0] =	vst.idx.add.f32.msk vm3, v3  }
0x5d: {  	v1 =	vld [tilespmem:s13+$0x76A0]  }
0x5e: {  	v2 =	vld [tilespmem:s13+$0x8690];
	_ =	sdelay $0x6  }
0x5f: {  	v3 =	vld.idx.msk [tilespmem:v1+s5+$0x0], $0xffff  }
0x60: {  	v2 =	vld.idx.msk [tilespmem:v2+s25+$0x0], $0xffff;
	_ =	sdelay $0x4  }
0x61: {  	v2 =	vadd.f32 v2, v3;
	_ =	sdelay $0x1  }
0x62: {  	v3 =	vmul.f32 $2.000000030e-01, v2;
	_ =	sdelay $0x1  }
0x63: {  	v2 =	vmax.f32 v2, v3  }
0x64: {  	v2 =	vmul.f32 $1.442695020e+00, v2;
	_ =	sdelay $0x1  }
0x65: {  	(erf) = vpow2.f32 v2;
	_ =	sdelay $0x8  }
0x66: {  	v2 =	vpop (erf)  }
0x67: {  	(xrf2) =	vadd.scan.msk.f32 $0xffff, v2  }
0x68: {  	v3 =	vld [tilespmem:s13+$0x769F]  }
0x69: {  	v4 =	vld [tilespmem:s13+$0x76A1];
	_ =	sdelay $0x3  }
0x6a: {  	vm2 =	vne.s32 v1, v3  }
0x6b: {  	vm3 =	vne.s32 v1, v4;
	vm2 =	vmor vm2, vm0  }
0x6c: {  	vm3 =	vmor vm3, vm1;
	_ =	sdelay $0x1  }
0x6d: {  	v3, _, _ =	vpop (xrf2)  }
0x6e: {  	v60 =	vsub.f32 v2, v3  }
0x6f: {  	[tilespmem:s13+$0x9690] =	vst v2  }
0x70: {  	[tilespmem:v1+s2+$0x0] =	vst.idx.add.f32.msk vm2, v60  }
0x71: {  	[tilespmem:v1+s2+$0x0] =	vst.idx.add.f32.msk vm3, v3  }
0x72: {  	v1 =	vld [tilespmem:s13+$0x76B0]  }
0x73: {  	v2 =	vld [tilespmem:s13+$0x86A0];
	_ =	sdelay $0x6  }
0x74: {  	v3 =	vld.idx.msk [tilespmem:v1+s5+$0x0], $0xffff  }
0x75: {  	v2 =	vld.idx.msk [tilespmem:v2+s25+$0x0], $0xffff;
	_ =	sdelay $0x4  }
0x76: {  	v2 =	vadd.f32 v2, v3;
	_ =	sdelay $0x1  }
0x77: {  	v3 =	vmul.f32 $2.000000030e-01, v2;
	_ =	sdelay $0x1  }
0x78: {  	v2 =	vmax.f32 v2, v3  }
0x79: {  	v2 =	vmul.f32 $1.442695020e+00, v2;
	_ =	sdelay $0x1  }
0x7a: {  	(erf) = vpow2.f32 v2;
	_ =	sdelay $0x8  }
0x7b: {  	v2 =	vpop (erf)  }
0x7c: {  	(xrf2) =	vadd.scan.msk.f32 $0xffff, v2  }
0x7d: {  	v3 =	vld [tilespmem:s13+$0x76AF]  }
0x7e: {  	v4 =	vld [tilespmem:s13+$0x76B1];
	_ =	sdelay $0x3  }
0x7f: {  	vm2 =	vne.s32 v1, v3  }
0x80: {  	vm3 =	vne.s32 v1, v4;
	vm2 =	vmor vm2, vm0  }
0x81: {  	vm3 =	vmor vm3, vm1;
	_ =	sdelay $0x1  }
0x82: {  	v3, _, _ =	vpop (xrf2)  }
0x83: {  	v61 =	vsub.f32 v2, v3  }
0x84: {  	[tilespmem:s13+$0x96A0] =	vst v2  }
0x85: {  	[tilespmem:v1+s2+$0x0] =	vst.idx.add.f32.msk vm2, v61  }
0x86: {  	[tilespmem:v1+s2+$0x0] =	vst.idx.add.f32.msk vm3, v3  }
0x87: {  	v1 =	vld [tilespmem:s13+$0x76C0]  }
0x88: {  	v2 =	vld [tilespmem:s13+$0x86B0];
	_ =	sdelay $0x6  }
0x89: {  	v3 =	vld.idx.msk [tilespmem:v1+s5+$0x0], $0xffff  }
0x8a: {  	v2 =	vld.idx.msk [tilespmem:v2+s25+$0x0], $0xffff;
	_ =	sdelay $0x4  }
0x8b: {  	v2 =	vadd.f32 v2, v3;
	_ =	sdelay $0x1  }
0x8c: {  	v3 =	vmul.f32 $2.000000030e-01, v2;
	_ =	sdelay $0x1  }
0x8d: {  	v2 =	vmax.f32 v2, v3  }
0x8e: {  	v2 =	vmul.f32 $1.442695020e+00, v2;
	_ =	sdelay $0x1  }
0x8f: {  	(erf) = vpow2.f32 v2;
	_ =	sdelay $0x8  }
0x90: {  	v2 =	vpop (erf)  }
0x91: {  	(xrf2) =	vadd.scan.msk.f32 $0xffff, v2  }
0x92: {  	v3 =	vld [tilespmem:s13+$0x76BF]  }
0x93: {  	v4 =	vld [tilespmem:s13+$0x76C1];
	_ =	sdelay $0x3  }
0x94: {  	vm2 =	vne.s32 v1, v3  }
0x95: {  	vm3 =	vne.s32 v1, v4;
	vm2 =	vmor vm2, vm0  }
0x96: {  	vm3 =	vmor vm3, vm1;
	_ =	sdelay $0x1  }
0x97: {  	v3, _, _ =	vpop (xrf2)  }
0x98: {  	v62 =	vsub.f32 v2, v3  }
0x99: {  	[tilespmem:s13+$0x96B0] =	vst v2  }
0x9a: {  	[tilespmem:v1+s2+$0x0] =	vst.idx.add.f32.msk vm2, v62  }
0x9b: {  	[tilespmem:v1+s2+$0x0] =	vst.idx.add.f32.msk vm3, v3  }
0x9c: {  	v1 =	vld [tilespmem:s13+$0x76D0]  }
0x9d: {  	v2 =	vld [tilespmem:s13+$0x86C0];
	_ =	sdelay $0x6  }
0x9e: {  	v3 =	vld.idx.msk [tilespmem:v1+s5+$0x0], $0xffff  }
0x9f: {  	v2 =	vld.idx.msk [tilespmem:v2+s25+$0x0], $0xffff;
	_ =	sdelay $0x4  }
0xa0: {  	v2 =	vadd.f32 v2, v3;
	_ =	sdelay $0x1  }
0xa1: {  	v3 =	vmul.f32 $2.000000030e-01, v2;
	_ =	sdelay $0x1  }
0xa2: {  	v2 =	vmax.f32 v2, v3  }
0xa3: {  	v2 =	vmul.f32 $1.442695020e+00, v2;
	_ =	sdelay $0x1  }
0xa4: {  	(erf) = vpow2.f32 v2;
	_ =	sdelay $0x8  }
0xa5: {  	v2 =	vpop (erf)  }
0xa6: {  	(xrf2) =	vadd.scan.msk.f32 $0xffff, v2  }
0xa7: {  	v3 =	vld [tilespmem:s13+$0x76CF]  }
0xa8: {  	v4 =	vld [tilespmem:s13+$0x76D1];
	_ =	sdelay $0x3  }
0xa9: {  	vm2 =	vne.s32 v1, v3  }
0xaa: {  	vm3 =	vne.s32 v1, v4;
	vm2 =	vmor vm2, vm0  }
0xab: {  	vm3 =	vmor vm3, vm1  }
0xac: {  	p1 =	sne.s32 s12, $0x1E00  }
.Ltmp3:
0xad: {  	v3, _, _ =	vpop (xrf2);
	(pc) =	sbr.rel @p1 .LBB2_5-.Ltmp3, $4  }
0xae: {  	v63 =	vsub.f32 v2, v3  }
0xaf: {  	[tilespmem:s13+$0x96C0] =	vst v2  }
0xb0: {  	[tilespmem:v1+s2+$0x0] =	vst.idx.add.f32.msk vm2, v63  }
0xb1: {  	s12 =	sadd.s32 $0x140, s12;
	[tilespmem:v1+s2+$0x0] =	vst.idx.add.f32.msk vm3, v3  }
0xb2: {  	s12 =	sadd.s32 s14, s10  }
0xb3: {  	s12 =	sshrl.u32 s12, $0x3  }
0xb4: {  	p1 =	seq.s32 s23, $0x13;
	s12 =	sadd.s32 s7, s12  }
0xb5: {  	[hbm4b:s12+s5] =	stream.linear.scatter [tilespmem:s28], [sflag:$0x5], $0x7D0, $0x38;
	[tilespmem:$0xE590] =	vst v63  }
0xb6: {  	s12 =	sadd.s32 @!p1 s10, s15  }
0xb7: {  	s12 =	sshrl.u32 @!p1 s12, $0x3  }
0xb8: {  	s22 =	simm.s32 @!p1 $0x0;
	s26 =	simm.s32 @!p1 $0x7680;
	s13 =	sadd.s32 @!p1 s1, s12  }
0xb9: {  	[tilespmem:s26], [sflag:$0x1] =	stream.linear.gather @!p1 [hbm4b:s13+s22], $0x7F0, $0x38;
	[tilespmem:$0xE590] =	vst v63  }
0xba: {  	s12 =	sadd.s32 @!p1 s3, s12;
	s13 =	simm.s32 @!p1 $0x8680  }
0xbb: {  	[tilespmem:s13], [sflag:$0x3] =	stream.linear.gather @!p1 [hbm4b:s12+s22], $0x7D0, $0x38;
	[tilespmem:$0xE590] =	vst v63  }
0xbc: {  	_ =	swait.ge [sflag:s8], $0x7F0  }
0xbd: {  	[sflag:s8] =	ssyncset.done $0x0  }
0xbe: {  	[sflag:s8] =	ssyncadd.s32 $0xFFFFF810  }
0xbf: {  	_ =	swait.ge [sflag:s9], $0x7D0  }
0xc0: {  	[sflag:s9] =	ssyncset.done $0x0  }
0xc1: {  	s12 =	simm.s32 @!p0 $0x6;
	[sflag:s9] =	ssyncadd.s32 $0xFFFFF830  }
0xc2: {  	_ =	swait.ge @!p0 [sflag:s12], $0x7D0  }
0xc3: {  	[sflag:s12] =	ssyncset.done @!p0 $0x0  }
0xc4: {  	[sflag:s12] =	ssyncadd.s32 @!p0 $0xFFFFF830;
	s12 =	simm.s32 $0x0  }
.LBB2_7:
0xc5: {  	s13 =	sshra.s32 s12, $0x2  }
0xc6: {  	v1 =	vld [tilespmem:s13+$0x7E90]  }
0xc7: {  	v2 =	vld [tilespmem:s13+$0x8E80];
	_ =	sdelay $0x6  }
0xc8: {  	v3 =	vld.idx.msk [tilespmem:v1+s5+$0x0], $0xffff  }
0xc9: {  	v2 =	vld.idx.msk [tilespmem:v2+s25+$0x0], $0xffff;
	_ =	sdelay $0x4  }
0xca: {  	v2 =	vadd.f32 v2, v3;
	_ =	sdelay $0x1  }
0xcb: {  	v3 =	vmul.f32 $2.000000030e-01, v2;
	_ =	sdelay $0x1  }
0xcc: {  	v2 =	vmax.f32 v2, v3  }
0xcd: {  	v2 =	vmul.f32 $1.442695020e+00, v2;
	_ =	sdelay $0x1  }
0xce: {  	(erf) = vpow2.f32 v2;
	_ =	sdelay $0x8  }
0xcf: {  	v2 =	vpop (erf)  }
0xd0: {  	(xrf2) =	vadd.scan.msk.f32 $0xffff, v2  }
0xd1: {  	v3 =	vld [tilespmem:s13+$0x7E8F]  }
0xd2: {  	v4 =	vld [tilespmem:s13+$0x7E91];
	_ =	sdelay $0x3  }
0xd3: {  	vm2 =	vne.s32 v1, v3  }
0xd4: {  	vm3 =	vne.s32 v1, v4;
	vm2 =	vmor vm2, vm0  }
0xd5: {  	vm3 =	vmor vm3, vm1;
	_ =	sdelay $0x1  }
0xd6: {  	v3, _, _ =	vpop (xrf2)  }
0xd7: {  	v59 =	vsub.f32 v2, v3  }
0xd8: {  	[tilespmem:s13+$0x9E80] =	vst v2  }
0xd9: {  	[tilespmem:v1+s2+$0x0] =	vst.idx.add.f32.msk vm2, v59  }
0xda: {  	[tilespmem:v1+s2+$0x0] =	vst.idx.add.f32.msk vm3, v3  }
0xdb: {  	v1 =	vld [tilespmem:s13+$0x7EA0]  }
0xdc: {  	v2 =	vld [tilespmem:s13+$0x8E90];
	_ =	sdelay $0x6  }
0xdd: {  	v3 =	vld.idx.msk [tilespmem:v1+s5+$0x0], $0xffff  }
0xde: {  	v2 =	vld.idx.msk [tilespmem:v2+s25+$0x0], $0xffff;
	_ =	sdelay $0x4  }
0xdf: {  	v2 =	vadd.f32 v2, v3;
	_ =	sdelay $0x1  }
0xe0: {  	v3 =	vmul.f32 $2.000000030e-01, v2;
	_ =	sdelay $0x1  }
0xe1: {  	v2 =	vmax.f32 v2, v3  }
0xe2: {  	v2 =	vmul.f32 $1.442695020e+00, v2;
	_ =	sdelay $0x1  }
0xe3: {  	(erf) = vpow2.f32 v2;
	_ =	sdelay $0x8  }
0xe4: {  	v2 =	vpop (erf)  }
0xe5: {  	(xrf2) =	vadd.scan.msk.f32 $0xffff, v2  }
0xe6: {  	v3 =	vld [tilespmem:s13+$0x7E9F]  }
0xe7: {  	v4 =	vld [tilespmem:s13+$0x7EA1];
	_ =	sdelay $0x3  }
0xe8: {  	vm2 =	vne.s32 v1, v3  }
0xe9: {  	vm3 =	vne.s32 v1, v4;
	vm2 =	vmor vm2, vm0  }
0xea: {  	vm3 =	vmor vm3, vm1;
	_ =	sdelay $0x1  }
0xeb: {  	v3, _, _ =	vpop (xrf2)  }
0xec: {  	v60 =	vsub.f32 v2, v3  }
0xed: {  	[tilespmem:s13+$0x9E90] =	vst v2  }
0xee: {  	[tilespmem:v1+s2+$0x0] =	vst.idx.add.f32.msk vm2, v60  }
0xef: {  	[tilespmem:v1+s2+$0x0] =	vst.idx.add.f32.msk vm3, v3  }
0xf0: {  	v1 =	vld [tilespmem:s13+$0x7EB0]  }
0xf1: {  	v2 =	vld [tilespmem:s13+$0x8EA0];
	_ =	sdelay $0x6  }
0xf2: {  	v3 =	vld.idx.msk [tilespmem:v1+s5+$0x0], $0xffff  }
0xf3: {  	v2 =	vld.idx.msk [tilespmem:v2+s25+$0x0], $0xffff;
	_ =	sdelay $0x4  }
0xf4: {  	v2 =	vadd.f32 v2, v3;
	_ =	sdelay $0x1  }
0xf5: {  	v3 =	vmul.f32 $2.000000030e-01, v2;
	_ =	sdelay $0x1  }
0xf6: {  	v2 =	vmax.f32 v2, v3  }
0xf7: {  	v2 =	vmul.f32 $1.442695020e+00, v2;
	_ =	sdelay $0x1  }
0xf8: {  	(erf) = vpow2.f32 v2;
	_ =	sdelay $0x8  }
0xf9: {  	v2 =	vpop (erf)  }
0xfa: {  	(xrf2) =	vadd.scan.msk.f32 $0xffff, v2  }
0xfb: {  	v3 =	vld [tilespmem:s13+$0x7EAF]  }
0xfc: {  	v4 =	vld [tilespmem:s13+$0x7EB1];
	_ =	sdelay $0x3  }
0xfd: {  	vm2 =	vne.s32 v1, v3  }
0xfe: {  	vm3 =	vne.s32 v1, v4;
	vm2 =	vmor vm2, vm0  }
0xff: {  	vm3 =	vmor vm3, vm1;
	_ =	sdelay $0x1  }
0x100: {  	v3, _, _ =	vpop (xrf2)  }
0x101: {  	v61 =	vsub.f32 v2, v3  }
0x102: {  	[tilespmem:s13+$0x9EA0] =	vst v2  }
0x103: {  	[tilespmem:v1+s2+$0x0] =	vst.idx.add.f32.msk vm2, v61  }
0x104: {  	[tilespmem:v1+s2+$0x0] =	vst.idx.add.f32.msk vm3, v3  }
0x105: {  	v1 =	vld [tilespmem:s13+$0x7EC0]  }
0x106: {  	v2 =	vld [tilespmem:s13+$0x8EB0];
	_ =	sdelay $0x6  }
0x107: {  	v3 =	vld.idx.msk [tilespmem:v1+s5+$0x0], $0xffff  }
0x108: {  	v2 =	vld.idx.msk [tilespmem:v2+s25+$0x0], $0xffff;
	_ =	sdelay $0x4  }
0x109: {  	v2 =	vadd.f32 v2, v3;
	_ =	sdelay $0x1  }
0x10a: {  	v3 =	vmul.f32 $2.000000030e-01, v2;
	_ =	sdelay $0x1  }
0x10b: {  	v2 =	vmax.f32 v2, v3  }
0x10c: {  	v2 =	vmul.f32 $1.442695020e+00, v2;
	_ =	sdelay $0x1  }
0x10d: {  	(erf) = vpow2.f32 v2;
	_ =	sdelay $0x8  }
0x10e: {  	v2 =	vpop (erf)  }
0x10f: {  	(xrf2) =	vadd.scan.msk.f32 $0xffff, v2  }
0x110: {  	v3 =	vld [tilespmem:s13+$0x7EBF]  }
0x111: {  	v4 =	vld [tilespmem:s13+$0x7EC1];
	_ =	sdelay $0x3  }
0x112: {  	vm2 =	vne.s32 v1, v3  }
0x113: {  	vm3 =	vne.s32 v1, v4;
	vm2 =	vmor vm2, vm0  }
0x114: {  	vm3 =	vmor vm3, vm1;
	_ =	sdelay $0x1  }
0x115: {  	v3, _, _ =	vpop (xrf2)  }
0x116: {  	v62 =	vsub.f32 v2, v3  }
0x117: {  	[tilespmem:s13+$0x9EB0] =	vst v2  }
0x118: {  	[tilespmem:v1+s2+$0x0] =	vst.idx.add.f32.msk vm2, v62  }
0x119: {  	[tilespmem:v1+s2+$0x0] =	vst.idx.add.f32.msk vm3, v3  }
0x11a: {  	v1 =	vld [tilespmem:s13+$0x7ED0]  }
0x11b: {  	v2 =	vld [tilespmem:s13+$0x8EC0];
	_ =	sdelay $0x6  }
0x11c: {  	v3 =	vld.idx.msk [tilespmem:v1+s5+$0x0], $0xffff  }
0x11d: {  	v2 =	vld.idx.msk [tilespmem:v2+s25+$0x0], $0xffff;
	_ =	sdelay $0x4  }
0x11e: {  	v2 =	vadd.f32 v2, v3;
	_ =	sdelay $0x1  }
0x11f: {  	v3 =	vmul.f32 $2.000000030e-01, v2;
	_ =	sdelay $0x1  }
0x120: {  	v2 =	vmax.f32 v2, v3  }
0x121: {  	v2 =	vmul.f32 $1.442695020e+00, v2;
	_ =	sdelay $0x1  }
0x122: {  	(erf) = vpow2.f32 v2;
	_ =	sdelay $0x8  }
0x123: {  	v2 =	vpop (erf)  }
0x124: {  	(xrf2) =	vadd.scan.msk.f32 $0xffff, v2  }
0x125: {  	v3 =	vld [tilespmem:s13+$0x7ECF]  }
0x126: {  	v4 =	vld [tilespmem:s13+$0x7ED1];
	_ =	sdelay $0x3  }
0x127: {  	vm2 =	vne.s32 v1, v3  }
0x128: {  	vm3 =	vne.s32 v1, v4;
	vm2 =	vmor vm2, vm0  }
0x129: {  	vm3 =	vmor vm3, vm1  }
0x12a: {  	p0 =	sne.s32 s12, $0x1E00  }
.Ltmp4:
0x12b: {  	v3, _, _ =	vpop (xrf2);
	(pc) =	sbr.rel @p0 .LBB2_7-.Ltmp4, $4  }
0x12c: {  	v63 =	vsub.f32 v2, v3  }
0x12d: {  	[tilespmem:s13+$0x9EC0] =	vst v2  }
0x12e: {  	[tilespmem:v1+s2+$0x0] =	vst.idx.add.f32.msk vm2, v63  }
0x12f: {  	s12 =	sadd.s32 $0x140, s12;
	[tilespmem:v1+s2+$0x0] =	vst.idx.add.f32.msk vm3, v3  }
.Ltmp5:
0x130: {  	(pc) =	sbr.rel @p1 .LBB2_10-.Ltmp5, $4  }
0x131: {  	s12 =	sadd.s32 s10, s16  }
0x132: {  	s12 =	sshrl.u32 s12, $0x3  }
0x133: {  	s12 =	sadd.s32 s7, s12  }
0x134: {  	[hbm4b:s12+s5] =	stream.linear.scatter [tilespmem:s11], [sflag:$0x6], $0x7D0, $0x38;
	[tilespmem:$0xE590] =	vst v63  }
0x135: {  	s10 =	sadd.s32 s10, s17  }
.Ltmp6:
0x136: {  	s10 =	sshrl.u32 s10, $0x3;
	(pc) =	sbr.rel .LBB2_4-.Ltmp6, $4  }
0x137: {  	s12 =	sadd.s32 s1, s10  }
0x138: {  	[tilespmem:s29], [sflag:$0x2] =	stream.linear.gather [hbm4b:s12+s5], $0x7F0, $0x38;
	[tilespmem:$0xE590] =	vst v63  }
0x139: {  	s23 =	sadd.s32 $0x1, s23;
	s10 =	sadd.s32 s3, s10  }
0x13a: {  	[tilespmem:s30], [sflag:$0x4] =	stream.linear.gather [hbm4b:s10+s5], $0x7D0, $0x38;
	[tilespmem:$0xE590] =	vst v63  }
.LBB2_10:
0x13b: {  	s10 =	simm.s32 $0x5  }
0x13c: {  	_ =	swait.ge [sflag:s10], $0x7D0  }
0x13d: {  	[sflag:s10] =	ssyncset.done $0x0  }
0x13e: {  	s23 =	simm.s32 $0x6;
	[sflag:s10] =	ssyncadd.s32 $0xFFFFF830  }
0x13f: {  	_ =	swait.ge [sflag:s23], $0x7D0  }
0x140: {  	[sflag:s23] =	ssyncset.done $0x0  }
0x141: {  	s26 =	rddreg [dreg:$0xb];
	[sflag:s23] =	ssyncadd.s32 $0xFFFFF830  }
0x142: {  	[spmem:s26] =	stream.linear.scatter [tilespmem:s2], [sflag:$0x7], $0x2710, $0x38;
	[tilespmem:$0xE590] =	vst v63  }
0x143: {  	_ =	swait.ge [sflag:s24], $0x2710  }
0x144: {  	[sflag:s24] =	ssyncset.done $0x0  }
0x145: {  	[sflag:s24] =	ssyncadd.s32 $0xFFFFD8F0  }
0x146: {  	s10 =	simm.s32 $0x0;
	[bflag:$0x0] =	sbarrier.arrive $0xFFFF  }
.LBB2_11:
0x147: {  	s12 =	sadd.s32 s10, s20  }
0x148: {  	s12 =	sand.u32 $0x3, s12  }
0x149: {  	s12 =	sor.u32 s19, s12  }
0x14a: {  	s12 =	smul.u32 $0x9C40, s12;
	_ =	sdelay $0x1  }
0x14b: {  	s12 =	sshrl.u32 s12, $0x2  }
0x14c: {  	s23 =	sadd.s32 s12, s4  }
0x14d: {  	[tilespmem:s18], [sflag:$0x7] =	stream.linear.gather [spmem:s23], $0x7D0, $0x38;
	[tilespmem:$0xE590] =	vst v63  }
0x14e: {  	_ =	swait.ge [sflag:s24], $0x7D0  }
0x14f: {  	[sflag:s24] =	ssyncset.done $0x0  }
0x150: {  	s12 =	simm.s32 $0x0;
	[sflag:s24] =	ssyncadd.s32 $0xFFFFF830  }
0x151: {  	s13 =	simm.s32 $0x40;
	v1 =	vld [tilespmem:s12+$0xB680]  }
.LBB2_12:
0x152: {  	p0 =	sne.s32 s13, $0x1F00;
	v2 =	vld [tilespmem:s12+$0x4F00];
	_ =	sdelay $0x2  }
.Ltmp7:
0x153: {  	(pc) =	sbr.rel @p0 .LBB2_12-.Ltmp7, $4  }
0x154: {  	_ = 	snop  }
0x155: {  	v2 =	vadd.f32 v1, v2  }
0x156: {  	s22 =	sshra.s32 s13, $0x2  }
0x157: {  	s13 =	sadd.s32 $0x40, s13;
	v1 =	vld [tilespmem:s22+$0xB680];
	[tilespmem:s12+$0x4F00] =	vst v2;
	s12 =	smov.u32 s22  }
0x158: {  	v2 =	vld [tilespmem:s12+$0x4F00];
	_ =	sdelay $0x4  }
0x159: {  	v1 =	vadd.f32 v1, v2;
	_ =	sdelay $0x1  }
0x15a: {  	s26 =	sadd.s32 $0x7D0, s23;
	[tilespmem:s12+$0x4F00] =	vst v1  }
0x15b: {  	[tilespmem:s18], [sflag:$0x7] =	stream.linear.gather [spmem:s26], $0x7D0, $0x38;
	[tilespmem:$0xE590] =	vst v63  }
0x15c: {  	_ =	swait.ge [sflag:s24], $0x7D0  }
0x15d: {  	[sflag:s24] =	ssyncset.done $0x0  }
0x15e: {  	s12 =	simm.s32 $0x0;
	[sflag:s24] =	ssyncadd.s32 $0xFFFFF830  }
0x15f: {  	s13 =	simm.s32 $0x40;
	v1 =	vld [tilespmem:s12+$0xB680]  }
.LBB2_14:
0x160: {  	p0 =	sne.s32 s13, $0x1F00;
	v2 =	vld [tilespmem:s12+$0x56D0];
	_ =	sdelay $0x2  }
.Ltmp8:
0x161: {  	(pc) =	sbr.rel @p0 .LBB2_14-.Ltmp8, $4  }
0x162: {  	_ = 	snop  }
0x163: {  	v2 =	vadd.f32 v1, v2  }
0x164: {  	s22 =	sshra.s32 s13, $0x2  }
0x165: {  	s13 =	sadd.s32 $0x40, s13;
	v1 =	vld [tilespmem:s22+$0xB680];
	[tilespmem:s12+$0x56D0] =	vst v2;
	s12 =	smov.u32 s22  }
0x166: {  	v2 =	vld [tilespmem:s12+$0x56D0];
	_ =	sdelay $0x4  }
0x167: {  	v1 =	vadd.f32 v1, v2;
	_ =	sdelay $0x1  }
0x168: {  	s26 =	sadd.s32 $0xFA0, s23;
	[tilespmem:s12+$0x56D0] =	vst v1  }
0x169: {  	[tilespmem:s18], [sflag:$0x7] =	stream.linear.gather [spmem:s26], $0x7D0, $0x38;
	[tilespmem:$0xE590] =	vst v63  }
0x16a: {  	_ =	swait.ge [sflag:s24], $0x7D0  }
0x16b: {  	[sflag:s24] =	ssyncset.done $0x0  }
0x16c: {  	s12 =	simm.s32 $0x0;
	[sflag:s24] =	ssyncadd.s32 $0xFFFFF830  }
0x16d: {  	s13 =	simm.s32 $0x40;
	v1 =	vld [tilespmem:s12+$0xB680]  }
.LBB2_16:
0x16e: {  	p0 =	sne.s32 s13, $0x1F00;
	v2 =	vld [tilespmem:s12+$0x5EA0];
	_ =	sdelay $0x2  }
.Ltmp9:
0x16f: {  	(pc) =	sbr.rel @p0 .LBB2_16-.Ltmp9, $4  }
0x170: {  	_ = 	snop  }
0x171: {  	v2 =	vadd.f32 v1, v2  }
0x172: {  	s22 =	sshra.s32 s13, $0x2  }
0x173: {  	s13 =	sadd.s32 $0x40, s13;
	v1 =	vld [tilespmem:s22+$0xB680];
	[tilespmem:s12+$0x5EA0] =	vst v2;
	s12 =	smov.u32 s22  }
0x174: {  	v2 =	vld [tilespmem:s12+$0x5EA0];
	_ =	sdelay $0x4  }
0x175: {  	v1 =	vadd.f32 v1, v2;
	_ =	sdelay $0x1  }
0x176: {  	s26 =	sadd.s32 $0x1770, s23;
	[tilespmem:s12+$0x5EA0] =	vst v1  }
0x177: {  	[tilespmem:s18], [sflag:$0x7] =	stream.linear.gather [spmem:s26], $0x7D0, $0x38;
	[tilespmem:$0xE590] =	vst v63  }
0x178: {  	_ =	swait.ge [sflag:s24], $0x7D0  }
0x179: {  	[sflag:s24] =	ssyncset.done $0x0  }
0x17a: {  	s12 =	simm.s32 $0x0;
	[sflag:s24] =	ssyncadd.s32 $0xFFFFF830  }
0x17b: {  	s13 =	simm.s32 $0x40;
	v1 =	vld [tilespmem:s12+$0xB680]  }
.LBB2_18:
0x17c: {  	p0 =	sne.s32 s13, $0x1F00;
	v2 =	vld [tilespmem:s12+$0x6670];
	_ =	sdelay $0x2  }
.Ltmp10:
0x17d: {  	(pc) =	sbr.rel @p0 .LBB2_18-.Ltmp10, $4  }
0x17e: {  	_ = 	snop  }
0x17f: {  	v2 =	vadd.f32 v1, v2  }
0x180: {  	s22 =	sshra.s32 s13, $0x2  }
0x181: {  	s13 =	sadd.s32 $0x40, s13;
	v1 =	vld [tilespmem:s22+$0xB680];
	[tilespmem:s12+$0x6670] =	vst v2;
	s12 =	smov.u32 s22  }
0x182: {  	v2 =	vld [tilespmem:s12+$0x6670];
	_ =	sdelay $0x4  }
0x183: {  	v1 =	vadd.f32 v1, v2;
	_ =	sdelay $0x1  }
0x184: {  	s26 =	sadd.s32 $0x1F40, s23;
	[tilespmem:s12+$0x6670] =	vst v1  }
0x185: {  	[tilespmem:s18], [sflag:$0x7] =	stream.linear.gather [spmem:s26], $0x7D0, $0x38;
	[tilespmem:$0xE590] =	vst v63  }
0x186: {  	_ =	swait.ge [sflag:s24], $0x7D0  }
0x187: {  	[sflag:s24] =	ssyncset.done $0x0  }
0x188: {  	s12 =	simm.s32 $0x0;
	[sflag:s24] =	ssyncadd.s32 $0xFFFFF830  }
0x189: {  	s13 =	simm.s32 $0x40;
	v1 =	vld [tilespmem:s12+$0xB680]  }
.LBB2_20:
0x18a: {  	p0 =	sne.s32 s13, $0x1F00;
	v2 =	vld [tilespmem:s12+$0x6E40];
	_ =	sdelay $0x2  }
.Ltmp11:
0x18b: {  	(pc) =	sbr.rel @p0 .LBB2_20-.Ltmp11, $4  }
0x18c: {  	_ = 	snop  }
0x18d: {  	v2 =	vadd.f32 v1, v2  }
0x18e: {  	s22 =	sshra.s32 s13, $0x2  }
0x18f: {  	s13 =	sadd.s32 $0x40, s13;
	v1 =	vld [tilespmem:s22+$0xB680];
	[tilespmem:s12+$0x6E40] =	vst v2;
	s12 =	smov.u32 s22  }
0x190: {  	v2 =	vld [tilespmem:s12+$0x6E40]  }
0x191: {  	s10 =	sadd.s32 $0x1, s10  }
0x192: {  	p0 =	sne.s32 s10, $0x3  }
.Ltmp12:
0x193: {  	_ = 	snop;
	(pc) =	sbr.rel @p0 .LBB2_11-.Ltmp12, $3  }
0x194: {  	_ = 	snop  }
0x195: {  	v1 =	vadd.f32 v1, v2;
	_ =	sdelay $0x1  }
0x196: {  	[tilespmem:s12+$0x6E40] =	vst v1  }
0x197: {  	s10 =	simm.s32 $0x0;
	s12 =	simm.s32 $0x40  }
.LBB2_23:
0x198: {  	p0 =	sne.s32 s12, $0x9C00;
	v1 =	vld [tilespmem:s10+$0x4F00];
	_ =	sdelay $0x4  }
0x199: {  	v1 =	vadd.f32 $9.999999960e-13, v1;
	_ =	sdelay $0x1  }
0x19a: {  	(erf) = vrcp.f32 v1;
	_ =	sdelay $0x5  }
.Ltmp13:
0x19b: {  	(pc) =	sbr.rel @p0 .LBB2_23-.Ltmp13, $3  }
0x19c: {  	_ =	sdelay $0x1  }
0x19d: {  	v1 =	vpop (erf)  }
0x19e: {  	[tilespmem:s10+$0x4F00] =	vst v1;
	s10 =	sshra.s32 s12, $0x2;
	s12 =	sadd.s32 $0x40, s12  }
0x19f: {  	v1 =	vld [tilespmem:s10+$0x4F00];
	_ =	sdelay $0x4  }
0x1a0: {  	v1 =	vadd.f32 $9.999999960e-13, v1;
	_ =	sdelay $0x1  }
0x1a1: {  	(erf) = vrcp.f32 v1;
	_ =	sdelay $0x8  }
0x1a2: {  	v1 =	vpop (erf)  }
0x1a3: {  	s23 =	simm.s32 $0x0;
	s26 =	rddreg [dreg:$0x7];
	s12 =	simm.s32 $0x7680;
	[tilespmem:s10+$0x4F00] =	vst v1  }
0x1a4: {  	[tilespmem:s12], [sflag:$0x1] =	stream.linear.gather [hbm4b:s26+s23], $0x7F0, $0x38;
	[tilespmem:$0xE590] =	vst v63  }
0x1a5: {  	s13 =	simm.s32 $0xA680;
	s12 =	rddreg [dreg:$0xc]  }
0x1a6: {  	[tilespmem:s13], [sflag:$0x3] =	stream.linear.gather [hbm4b:s12+s23], $0x7D0, $0x38;
	[tilespmem:$0xE590] =	vst v63  }
0x1a7: {  	s22 =	rddreg [dreg:$0x9]  }
0x1a8: {  	[tilespmem:s29], [sflag:$0x2] =	stream.linear.gather [hbm4b:s22+s23], $0x7F0, $0x38;
	[tilespmem:$0xE590] =	vst v63  }
0x1a9: {  	s26 =	rddreg [dreg:$0xd]  }
0x1aa: {  	[tilespmem:s21], [sflag:$0x4] =	stream.linear.gather [hbm4b:s26+s23], $0x7D0, $0x38;
	[tilespmem:$0xE590] =	vst v63  }
.LBB2_25:
0x1ab: {  	_ =	swait.ge [sflag:s31], $0x7F0  }
0x1ac: {  	[sflag:s31] =	ssyncset.done $0x0  }
0x1ad: {  	[sflag:s31] =	ssyncadd.s32 $0xFFFFF810  }
0x1ae: {  	_ =	swait.ge [sflag:s0], $0x7D0  }
0x1af: {  	p0 =	seq.s32 s23, $0x0;
	[sflag:s0] =	ssyncset.done $0x0  }
0x1b0: {  	s10 =	simm.s32 @!p0 $0x5;
	[sflag:s0] =	ssyncadd.s32 $0xFFFFF830  }
0x1b1: {  	_ =	swait.ge @!p0 [sflag:s10], $0x7D0  }
0x1b2: {  	[sflag:s10] =	ssyncset.done @!p0 $0x0  }
0x1b3: {  	s12 =	simm.s32 $0x0;
	[sflag:s10] =	ssyncadd.s32 @!p0 $0xFFFFF830  }
0x1b4: {  	v1 =	vld [tilespmem:s12+$0x7690];
	_ =	sdelay $0x5  }
0x1b5: {  	v2 =	vld [tilespmem:s12+$0xA680]  }
0x1b6: {  	v3 =	vld [tilespmem:s12+$0x76A0]  }
0x1b7: {  	v1 =	vld.idx.msk [tilespmem:v1+s2+$0x0], $0xffff;
	_ =	sdelay $0x4  }
0x1b8: {  	v1 =	vmul.f32 v2, v1;
	_ =	sdelay $0x1  }
0x1b9: {  	[tilespmem:s12+$0x9680] =	vst v1;
	v1 =	vld [tilespmem:s12+$0xA690]  }
0x1ba: {  	v2 =	vld.idx.msk [tilespmem:v3+s2+$0x0], $0xffff  }
0x1bb: {  	v3 =	vld [tilespmem:s12+$0x76B0];
	_ =	sdelay $0x4  }
0x1bc: {  	v1 =	vmul.f32 v1, v2;
	_ =	sdelay $0x1  }
0x1bd: {  	[tilespmem:s12+$0x9690] =	vst v1;
	v1 =	vld [tilespmem:s12+$0xA6A0]  }
0x1be: {  	v2 =	vld.idx.msk [tilespmem:v3+s2+$0x0], $0xffff  }
0x1bf: {  	v3 =	vld [tilespmem:s12+$0x76C0];
	_ =	sdelay $0x4  }
0x1c0: {  	v1 =	vmul.f32 v1, v2;
	_ =	sdelay $0x1  }
0x1c1: {  	[tilespmem:s12+$0x96A0] =	vst v1;
	v1 =	vld [tilespmem:s12+$0xA6B0]  }
0x1c2: {  	v2 =	vld.idx.msk [tilespmem:v3+s2+$0x0], $0xffff  }
0x1c3: {  	v3 =	vld [tilespmem:s12+$0x76D0];
	_ =	sdelay $0x3  }
0x1c4: {  	s10 =	smul.u32 $0xFA0, s23  }
0x1c5: {  	v1 =	vmul.f32 v1, v2  }
0x1c6: {  	s13 =	sadd.s32 s14, s10  }
0x1c7: {  	s13 =	sshrl.u32 s13, $0x3;
	[tilespmem:s12+$0x96B0] =	vst v1;
	v1 =	vld [tilespmem:s12+$0xA6C0]  }
0x1c8: {  	s22 =	simm.s32 $0x50;
	s26 =	simm.s32 $0x280;
	s13 =	sadd.s32 s7, s13;
	v2 =	vld.idx.msk [tilespmem:v3+s2+$0x0], $0xffff  }
.LBB2_26:
0x1c9: {  	p1 =	sne.s32 s26, $0x1E00;
	v3 =	vld [tilespmem:s22+$0x7690];
	_ =	sdelay $0x4  }
0x1ca: {  	v1 =	vmul.f32 v1, v2;
	_ =	sdelay $0x1  }
0x1cb: {  	v2 =	vld [tilespmem:s22+$0xA680];
	[tilespmem:s12+$0x96C0] =	vst v1;
	s12 =	smov.u32 s22  }
0x1cc: {  	v1 =	vld.idx.msk [tilespmem:v3+s2+$0x0], $0xffff  }
0x1cd: {  	v3 =	vld [tilespmem:s12+$0x76A0];
	_ =	sdelay $0x4  }
0x1ce: {  	v1 =	vmul.f32 v2, v1;
	_ =	sdelay $0x1  }
0x1cf: {  	[tilespmem:s12+$0x9680] =	vst v1;
	v1 =	vld [tilespmem:s12+$0xA690]  }
0x1d0: {  	v2 =	vld.idx.msk [tilespmem:v3+s2+$0x0], $0xffff  }
0x1d1: {  	v3 =	vld [tilespmem:s12+$0x76B0];
	_ =	sdelay $0x4  }
0x1d2: {  	v1 =	vmul.f32 v1, v2;
	_ =	sdelay $0x1  }
0x1d3: {  	[tilespmem:s12+$0x9690] =	vst v1;
	v1 =	vld [tilespmem:s12+$0xA6A0]  }
0x1d4: {  	v2 =	vld.idx.msk [tilespmem:v3+s2+$0x0], $0xffff  }
0x1d5: {  	v3 =	vld [tilespmem:s12+$0x76C0];
	_ =	sdelay $0x4  }
0x1d6: {  	v1 =	vmul.f32 v1, v2;
	_ =	sdelay $0x1  }
0x1d7: {  	[tilespmem:s12+$0x96A0] =	vst v1;
	v1 =	vld [tilespmem:s12+$0xA6B0]  }
0x1d8: {  	v2 =	vld.idx.msk [tilespmem:v3+s2+$0x0], $0xffff  }
0x1d9: {  	v3 =	vld [tilespmem:s12+$0x76D0];
	_ =	sdelay $0x3  }
.Ltmp14:
0x1da: {  	(pc) =	sbr.rel @p1 .LBB2_26-.Ltmp14, $3  }
0x1db: {  	v1 =	vmul.f32 v1, v2;
	_ =	sdelay $0x1  }
0x1dc: {  	[tilespmem:s12+$0x96B0] =	vst v1;
	v1 =	vld [tilespmem:s12+$0xA6C0]  }
0x1dd: {  	s22 =	sshra.s32 s26, $0x2;
	s26 =	sadd.s32 $0x140, s26;
	v2 =	vld.idx.msk [tilespmem:v3+s2+$0x0], $0xffff  }
0x1de: {  	v3 =	vld [tilespmem:s22+$0x7690];
	_ =	sdelay $0x4  }
0x1df: {  	v1 =	vmul.f32 v1, v2;
	_ =	sdelay $0x1  }
0x1e0: {  	v2 =	vld [tilespmem:s22+$0xA680];
	[tilespmem:s12+$0x96C0] =	vst v1  }
0x1e1: {  	v1 =	vld.idx.msk [tilespmem:v3+s2+$0x0], $0xffff  }
0x1e2: {  	v3 =	vld [tilespmem:s22+$0x76A0];
	_ =	sdelay $0x4  }
0x1e3: {  	v1 =	vmul.f32 v2, v1;
	_ =	sdelay $0x1  }
0x1e4: {  	[tilespmem:s22+$0x9680] =	vst v1;
	v1 =	vld [tilespmem:s22+$0xA690]  }
0x1e5: {  	v2 =	vld.idx.msk [tilespmem:v3+s2+$0x0], $0xffff  }
0x1e6: {  	v3 =	vld [tilespmem:s22+$0x76B0];
	_ =	sdelay $0x4  }
0x1e7: {  	v1 =	vmul.f32 v1, v2;
	_ =	sdelay $0x1  }
0x1e8: {  	[tilespmem:s22+$0x9690] =	vst v1;
	v1 =	vld [tilespmem:s22+$0xA6A0]  }
0x1e9: {  	v2 =	vld.idx.msk [tilespmem:v3+s2+$0x0], $0xffff  }
0x1ea: {  	v3 =	vld [tilespmem:s22+$0x76C0];
	_ =	sdelay $0x4  }
0x1eb: {  	v1 =	vmul.f32 v1, v2;
	_ =	sdelay $0x1  }
0x1ec: {  	[tilespmem:s22+$0x96A0] =	vst v1;
	v1 =	vld [tilespmem:s22+$0xA6B0]  }
0x1ed: {  	v2 =	vld.idx.msk [tilespmem:v3+s2+$0x0], $0xffff  }
0x1ee: {  	v3 =	vld [tilespmem:s22+$0x76D0];
	_ =	sdelay $0x4  }
0x1ef: {  	v1 =	vmul.f32 v1, v2;
	_ =	sdelay $0x1  }
0x1f0: {  	[tilespmem:s22+$0x96B0] =	vst v1;
	v1 =	vld [tilespmem:s22+$0xA6C0]  }
0x1f1: {  	v2 =	vld.idx.msk [tilespmem:v3+s2+$0x0], $0xffff;
	_ =	sdelay $0x4  }
0x1f2: {  	v1 =	vmul.f32 v1, v2  }
0x1f3: {  	p1 =	seq.s32 s23, $0x13  }
0x1f4: {  	s12 =	sadd.s32 @!p1 $0xFA0, s10;
	[tilespmem:s22+$0x96C0] =	vst v1  }
0x1f5: {  	[hbm4b:s13+s5] =	stream.linear.scatter [tilespmem:s28], [sflag:$0x5], $0x7D0, $0x38;
	[tilespmem:$0xE590] =	vst v63  }
0x1f6: {  	s13 =	sadd.s32 @!p1 s6, s12  }
0x1f7: {  	s26 =	simm.s32 @!p1 $0x7680;
	s12 =	sadd.s32 @!p1 s14, s12;
	s13 =	sshrl.u32 @!p1 s13, $0x3  }
0x1f8: {  	s22 =	simm.s32 @!p1 $0x0;
	s12 =	sshrl.u32 @!p1 s12, $0x3;
	s13 =	sadd.s32 @!p1 s1, s13  }
0x1f9: {  	[tilespmem:s26], [sflag:$0x1] =	stream.linear.gather @!p1 [hbm4b:s13+s22], $0x7F0, $0x38;
	[tilespmem:$0xE590] =	vst v63  }
0x1fa: {  	s12 =	sadd.s32 @!p1 s7, s12;
	s13 =	simm.s32 @!p1 $0xA680  }
0x1fb: {  	[tilespmem:s13], [sflag:$0x3] =	stream.linear.gather @!p1 [hbm4b:s12+s22], $0x7D0, $0x38;
	[tilespmem:$0xE590] =	vst v63  }
0x1fc: {  	_ =	swait.ge [sflag:s8], $0x7F0  }
0x1fd: {  	[sflag:s8] =	ssyncset.done $0x0  }
0x1fe: {  	[sflag:s8] =	ssyncadd.s32 $0xFFFFF810  }
0x1ff: {  	_ =	swait.ge [sflag:s9], $0x7D0  }
0x200: {  	[sflag:s9] =	ssyncset.done $0x0  }
0x201: {  	s12 =	simm.s32 @!p0 $0x6;
	[sflag:s9] =	ssyncadd.s32 $0xFFFFF830  }
0x202: {  	_ =	swait.ge @!p0 [sflag:s12], $0x7D0  }
0x203: {  	[sflag:s12] =	ssyncset.done @!p0 $0x0  }
0x204: {  	[sflag:s12] =	ssyncadd.s32 @!p0 $0xFFFFF830;
	s12 =	simm.s32 $0x0  }
0x205: {  	v1 =	vld [tilespmem:s12+$0x7E90];
	_ =	sdelay $0x5  }
0x206: {  	v2 =	vld [tilespmem:s12+$0xAE80]  }
0x207: {  	v3 =	vld [tilespmem:s12+$0x7EA0]  }
0x208: {  	v1 =	vld.idx.msk [tilespmem:v1+s2+$0x0], $0xffff;
	_ =	sdelay $0x4  }
0x209: {  	v1 =	vmul.f32 v2, v1;
	_ =	sdelay $0x1  }
0x20a: {  	[tilespmem:s12+$0x9E80] =	vst v1;
	v1 =	vld [tilespmem:s12+$0xAE90]  }
0x20b: {  	v2 =	vld.idx.msk [tilespmem:v3+s2+$0x0], $0xffff  }
0x20c: {  	v3 =	vld [tilespmem:s12+$0x7EB0];
	_ =	sdelay $0x4  }
0x20d: {  	v1 =	vmul.f32 v1, v2;
	_ =	sdelay $0x1  }
0x20e: {  	[tilespmem:s12+$0x9E90] =	vst v1;
	v1 =	vld [tilespmem:s12+$0xAEA0]  }
0x20f: {  	v2 =	vld.idx.msk [tilespmem:v3+s2+$0x0], $0xffff  }
0x210: {  	v3 =	vld [tilespmem:s12+$0x7EC0];
	_ =	sdelay $0x4  }
0x211: {  	v1 =	vmul.f32 v1, v2;
	_ =	sdelay $0x1  }
0x212: {  	[tilespmem:s12+$0x9EA0] =	vst v1;
	v1 =	vld [tilespmem:s12+$0xAEB0]  }
0x213: {  	v2 =	vld.idx.msk [tilespmem:v3+s2+$0x0], $0xffff  }
0x214: {  	v3 =	vld [tilespmem:s12+$0x7ED0];
	_ =	sdelay $0x4  }
0x215: {  	v1 =	vmul.f32 v1, v2  }
0x216: {  	s26 =	sadd.s32 s10, s16  }
0x217: {  	s13 =	sshrl.u32 s26, $0x3;
	[tilespmem:s12+$0x9EB0] =	vst v1;
	v1 =	vld [tilespmem:s12+$0xAEC0]  }
0x218: {  	s22 =	simm.s32 $0x50;
	s26 =	simm.s32 $0x280;
	s13 =	sadd.s32 s7, s13;
	v2 =	vld.idx.msk [tilespmem:v3+s2+$0x0], $0xffff  }
.LBB2_28:
0x219: {  	p0 =	sne.s32 s26, $0x1E00;
	v3 =	vld [tilespmem:s22+$0x7E90];
	_ =	sdelay $0x4  }
0x21a: {  	v1 =	vmul.f32 v1, v2;
	_ =	sdelay $0x1  }
0x21b: {  	v2 =	vld [tilespmem:s22+$0xAE80];
	[tilespmem:s12+$0x9EC0] =	vst v1;
	s12 =	smov.u32 s22  }
0x21c: {  	v1 =	vld.idx.msk [tilespmem:v3+s2+$0x0], $0xffff  }
0x21d: {  	v3 =	vld [tilespmem:s12+$0x7EA0];
	_ =	sdelay $0x4  }
0x21e: {  	v1 =	vmul.f32 v2, v1;
	_ =	sdelay $0x1  }
0x21f: {  	[tilespmem:s12+$0x9E80] =	vst v1;
	v1 =	vld [tilespmem:s12+$0xAE90]  }
0x220: {  	v2 =	vld.idx.msk [tilespmem:v3+s2+$0x0], $0xffff  }
0x221: {  	v3 =	vld [tilespmem:s12+$0x7EB0];
	_ =	sdelay $0x4  }
0x222: {  	v1 =	vmul.f32 v1, v2;
	_ =	sdelay $0x1  }
0x223: {  	[tilespmem:s12+$0x9E90] =	vst v1;
	v1 =	vld [tilespmem:s12+$0xAEA0]  }
0x224: {  	v2 =	vld.idx.msk [tilespmem:v3+s2+$0x0], $0xffff  }
0x225: {  	v3 =	vld [tilespmem:s12+$0x7EC0];
	_ =	sdelay $0x4  }
0x226: {  	v1 =	vmul.f32 v1, v2;
	_ =	sdelay $0x1  }
0x227: {  	[tilespmem:s12+$0x9EA0] =	vst v1;
	v1 =	vld [tilespmem:s12+$0xAEB0]  }
0x228: {  	v2 =	vld.idx.msk [tilespmem:v3+s2+$0x0], $0xffff  }
0x229: {  	v3 =	vld [tilespmem:s12+$0x7ED0];
	_ =	sdelay $0x3  }
.Ltmp15:
0x22a: {  	(pc) =	sbr.rel @p0 .LBB2_28-.Ltmp15, $3  }
0x22b: {  	v1 =	vmul.f32 v1, v2;
	_ =	sdelay $0x1  }
0x22c: {  	[tilespmem:s12+$0x9EB0] =	vst v1;
	v1 =	vld [tilespmem:s12+$0xAEC0]  }
0x22d: {  	s22 =	sshra.s32 s26, $0x2;
	s26 =	sadd.s32 $0x140, s26;
	v2 =	vld.idx.msk [tilespmem:v3+s2+$0x0], $0xffff  }
0x22e: {  	v3 =	vld [tilespmem:s22+$0x7E90];
	_ =	sdelay $0x4  }
0x22f: {  	v1 =	vmul.f32 v1, v2;
	_ =	sdelay $0x1  }
0x230: {  	v2 =	vld [tilespmem:s22+$0xAE80];
	[tilespmem:s12+$0x9EC0] =	vst v1  }
0x231: {  	v1 =	vld.idx.msk [tilespmem:v3+s2+$0x0], $0xffff  }
0x232: {  	v3 =	vld [tilespmem:s22+$0x7EA0];
	_ =	sdelay $0x4  }
0x233: {  	v1 =	vmul.f32 v2, v1;
	_ =	sdelay $0x1  }
0x234: {  	[tilespmem:s22+$0x9E80] =	vst v1;
	v1 =	vld [tilespmem:s22+$0xAE90]  }
0x235: {  	v2 =	vld.idx.msk [tilespmem:v3+s2+$0x0], $0xffff  }
0x236: {  	v3 =	vld [tilespmem:s22+$0x7EB0];
	_ =	sdelay $0x4  }
0x237: {  	v1 =	vmul.f32 v1, v2;
	_ =	sdelay $0x1  }
0x238: {  	[tilespmem:s22+$0x9E90] =	vst v1;
	v1 =	vld [tilespmem:s22+$0xAEA0]  }
0x239: {  	v2 =	vld.idx.msk [tilespmem:v3+s2+$0x0], $0xffff  }
0x23a: {  	v3 =	vld [tilespmem:s22+$0x7EC0];
	_ =	sdelay $0x4  }
0x23b: {  	v1 =	vmul.f32 v1, v2;
	_ =	sdelay $0x1  }
0x23c: {  	[tilespmem:s22+$0x9EA0] =	vst v1;
	v1 =	vld [tilespmem:s22+$0xAEB0]  }
0x23d: {  	v2 =	vld.idx.msk [tilespmem:v3+s2+$0x0], $0xffff  }
0x23e: {  	v3 =	vld [tilespmem:s22+$0x7ED0];
	_ =	sdelay $0x4  }
0x23f: {  	v1 =	vmul.f32 v1, v2;
	_ =	sdelay $0x1  }
0x240: {  	[tilespmem:s22+$0x9EB0] =	vst v1;
	v1 =	vld [tilespmem:s22+$0xAEC0]  }
0x241: {  	v2 =	vld.idx.msk [tilespmem:v3+s2+$0x0], $0xffff;
	_ =	sdelay $0x3  }
.Ltmp16:
0x242: {  	_ = 	snop;
	(pc) =	sbr.rel @p1 .LBB2_31-.Ltmp16, $3  }
0x243: {  	v1 =	vmul.f32 v1, v2;
	_ =	sdelay $0x1  }
0x244: {  	[tilespmem:s22+$0x9EC0] =	vst v1  }
0x245: {  	[hbm4b:s13+s5] =	stream.linear.scatter [tilespmem:s11], [sflag:$0x6], $0x7D0, $0x38;
	[tilespmem:$0xE590] =	vst v63  }
0x246: {  	s10 =	sadd.s32 $0x1770, s10  }
0x247: {  	s12 =	sadd.s32 s6, s10  }
.Ltmp17:
0x248: {  	s10 =	sadd.s32 s14, s10;
	s12 =	sshrl.u32 s12, $0x3;
	(pc) =	sbr.rel .LBB2_25-.Ltmp17, $4  }
0x249: {  	s10 =	sshrl.u32 s10, $0x3;
	s12 =	sadd.s32 s1, s12  }
0x24a: {  	[tilespmem:s29], [sflag:$0x2] =	stream.linear.gather [hbm4b:s12+s5], $0x7F0, $0x38;
	[tilespmem:$0xE590] =	vst v63  }
0x24b: {  	s23 =	sadd.s32 $0x1, s23;
	s10 =	sadd.s32 s7, s10  }
0x24c: {  	[tilespmem:s21], [sflag:$0x4] =	stream.linear.gather [hbm4b:s10+s5], $0x7D0, $0x38;
	[tilespmem:$0xE590] =	vst v63  }
.LBB2_32:
0x24d: {  	_ =	sfence.sel $0x180000  }
0x24e: {  	[bflag:$0x0] =	sbarrier.arrive $0xFFFF  }
0x24f: {  	_ =	strace $0x90000047  }
0x250: {  	s0 =	stileid.u32;
	[bflag:$0x2] =	sbarrier.arrive $0xFFFF  }
0x251: {  	p0 =	sne.s32 s0, $0x0;
	s0 =	rddreg [dreg:$0x4]  }
0x252: {  	s0 =	sadd.s32 @!p0 $0x100000, s0  }
0x253: {  	[sflag:s0] =	ssyncadd.tile.s32 @!p0 $0x1;
	_ =	shalt  }
.Lfunc_end2:
_tile_overlayer_lowered:
.L_overlay_start_2:
0x254: {  	(tag) =	ssettag $0x2  }
0x255: {  	s0 =	rddreg [dreg:$0x0];
	s2 =	stileid.u32  }
0x256: {  	s1 =	rddreg [dreg:$0x1];
	p0 =	sne.s32 s2, $0x0  }
0x257: {  	s3 =	rddreg [dreg:$0x2];
	[bflag:$0x3] =	sbarrier.arrive $0xFFFF;
	s2 =	simm.s32 @!p0 $0x1C07  }
0x258: {  	[timem:s3], [sflag:s2] =	dma.local @!p0 [hbm:s0], s1  }
0x259: {  	s0 =	simm.s32 @!p0 $0x7  }
0x25a: {  	_ =	swait.ge @!p0 [sflag:s0], s1  }
0x25b: {  	s1 =	ssub.s32 @!p0 $0x0, s1;
	[sflag:s0] =	ssyncset.done @!p0 $0x0  }
0x25c: {  	[sflag:s0] =	ssyncadd.s32 @!p0 s1  }
0x25d: {  	[bflag:$0x3] =	sbarrier.arrive $0xFFFF  }
0x25e: {  	_ =	shalt  }

</sc_bundles>
